<compile_context>
chip_gen: v7x
topology: tpu7x:2x2x1
jax: 0.10.2.dev20260603
libtpu: 0.0.44.dev20260713+nightly
codegen_flags: <defaults>
</compile_context>

<pallas_src>
import functools

import jax
import jax.numpy as jnp
from jax import lax
from jax.experimental import pallas as pl
from jax.experimental.pallas import tpu as pltpu
from jax.experimental.pallas import tpu_sc as plsc

N = 10000
E = 320000
F = 128
L = 16
NC, NS = 2, 16
NW = NC * NS
CH = 128
CPT = 80
EPW = CH * CPT
E_PAD = EPW * NW
PAD = E_PAD - E
N_DUMMY = 112
N_ACC = N + N_DUMMY
RPT = N_ACC // NS

_mesh = lambda: plsc.VectorSubcoreMesh(
    core_axis_name="c", subcore_axis_name="s", num_cores=NC, num_subcores=NS)


def _zero_fill(ref, rows, cols):
    z = jnp.zeros((16,), jnp.float32)

    def body(r, _):
        for k in range(cols // 16):
            ref[r, pl.ds(k * 16, 16)] = z
        return _

    lax.fori_loop(0, rows, body, None)


def _sc_degree(dstP):

    @functools.partial(
        pl.kernel,
        out_type=jax.ShapeDtypeStruct((NC, N_ACC, L), jnp.float32),
        mesh=_mesh(),
        scratch_types=[
            pltpu.VMEM((CPT, CH), jnp.int32),
            pltpu.VMEM((CH, L), jnp.float32),
            pltpu.VMEM_SHARED((N_ACC, L), jnp.float32),
        ],
    )
    def k(dstP_hbm, out_hbm, dst_v, ones_v, acc):
        cid = lax.axis_index("c")
        sid = lax.axis_index("s")
        w = cid * NS + sid
        pltpu.sync_copy(dstP_hbm.at[pl.ds(w * CPT, CPT)], dst_v)
        _zero_fill(ones_v, CH, L)
        base = sid * RPT
        for r in range(0, RPT, CH):
            sz = min(CH, RPT - r)
            pltpu.sync_copy(ones_v.at[pl.ds(0, sz)], acc.at[pl.ds(base + r, sz)])
        one = jnp.ones((16,), jnp.float32)

        def fill(r, _):
            ones_v[r, :] = one
            return _

        lax.fori_loop(0, CH, fill, None)
        plsc.subcore_barrier()

        def body(j, _):
            pltpu.sync_copy(ones_v, acc.at[dst_v.at[j]], add=True)
            return _

        lax.fori_loop(0, CPT, body, None)
        plsc.subcore_barrier()
        pltpu.sync_copy(acc.at[pl.ds(base, RPT)],
                        out_hbm.at[cid, pl.ds(base, RPT)])

    return k(dstP)


def _sc_propagate(srcP, dstP, hs, D):

    @functools.partial(
        pl.kernel,
        out_type=jax.ShapeDtypeStruct((NC, N_ACC, D), jnp.float32),
        mesh=_mesh(),
        scratch_types=[
            pltpu.VMEM((CPT // 2, CH), jnp.int32),
            pltpu.VMEM((CPT // 2, CH), jnp.int32),
            pltpu.VMEM((CH, D), jnp.float32),
            pltpu.VMEM_SHARED((N_ACC, D), jnp.float32),
            pltpu.SemaphoreType.DMA,
        ],
    )
    def k(srcP_hbm, dstP_hbm, hs_hbm, out_hbm, src_v, dst_v, rows0,
          acc, sem0):
        cid = lax.axis_index("c")
        sid = lax.axis_index("s")
        w = cid * NS + sid
        IH = CPT // 2
        _zero_fill(rows0, CH, D)
        base = sid * RPT
        for r in range(0, RPT, CH):
            sz = min(CH, RPT - r)
            pltpu.sync_copy(rows0.at[pl.ds(0, sz)], acc.at[pl.ds(base + r, sz)])
        plsc.subcore_barrier()

        for ph in range(2):
            pbase = w * CPT + ph * IH
            pltpu.sync_copy(srcP_hbm.at[pl.ds(pbase, IH)], src_v)
            pltpu.sync_copy(dstP_hbm.at[pl.ds(pbase, IH)], dst_v)

            def body(j, _):
                pltpu.async_copy(hs_hbm.at[src_v.at[j]], rows0, sem0).wait()
                pltpu.sync_copy(rows0, acc.at[dst_v.at[j]], add=True)
                return _

            lax.fori_loop(0, IH, body, None)
        plsc.subcore_barrier()
        pltpu.sync_copy(acc.at[pl.ds(base, RPT)],
                        out_hbm.at[cid, pl.ds(base, RPT)])

    return k(srcP, dstP, hs)


def _sc_propagate16(srcP, dstP, hs2):

    @functools.partial(
        pl.kernel,
        out_type=jax.ShapeDtypeStruct((NC, N_ACC, L), jnp.float32),
        mesh=_mesh(),
        scratch_types=[
            pltpu.VMEM((CPT // 2, CH), jnp.int32),
            pltpu.VMEM((CPT // 2, CH), jnp.int32),
            pltpu.VMEM((CH, L), jnp.float32),
            pltpu.VMEM_SHARED((N, L), jnp.float32),
            pltpu.VMEM_SHARED((N_ACC, L), jnp.float32),
            pltpu.SemaphoreType.DMA,
        ],
    )
    def k(srcP_hbm, dstP_hbm, hs_hbm, out_hbm, src_v, dst_v, rows0,
          table, acc, sem0):
        cid = lax.axis_index("c")
        sid = lax.axis_index("s")
        w = cid * NS + sid
        IH = CPT // 2
        toff = sid * RPT

        @pl.when(sid < NS - 1)
        def _stage():
            pltpu.sync_copy(hs_hbm.at[pl.ds(toff, RPT)],
                            table.at[pl.ds(toff, RPT)])

        @pl.when(sid == NS - 1)
        def _stage_last():
            pltpu.sync_copy(hs_hbm.at[pl.ds(N - (N - (NS - 1) * RPT),
                                            N - (NS - 1) * RPT)],
                            table.at[pl.ds((NS - 1) * RPT,
                                           N - (NS - 1) * RPT)])
        _zero_fill(rows0, CH, L)
        base = sid * RPT
        for r in range(0, RPT, CH):
            sz = min(CH, RPT - r)
            pltpu.sync_copy(rows0.at[pl.ds(0, sz)], acc.at[pl.ds(base + r, sz)])
        plsc.subcore_barrier()

        for ph in range(2):
            pbase = w * CPT + ph * IH
            pltpu.sync_copy(srcP_hbm.at[pl.ds(pbase, IH)], src_v)
            pltpu.sync_copy(dstP_hbm.at[pl.ds(pbase, IH)], dst_v)

            def body(j, _):
                pltpu.async_copy(table.at[src_v.at[j]], rows0, sem0).wait()
                pltpu.sync_copy(rows0, acc.at[dst_v.at[j]], add=True)
                return _

            lax.fori_loop(0, IH, body, None)
        plsc.subcore_barrier()
        pltpu.sync_copy(acc.at[pl.ds(base, RPT)],
                        out_hbm.at[cid, pl.ds(base, RPT)])

    return k(srcP, dstP, hs2)


def _tc_k1(x, W1, pdeg):
    R = 1000

    def body(x_ref, w_ref, p_ref, hs_ref, dinv_ref):
        deg = p_ref[0, :, 0:1] + p_ref[1, :, 0:1] + 1.0
        dinv = lax.rsqrt(deg)
        h = jnp.dot(x_ref[...], w_ref[...], preferred_element_type=jnp.float32)
        hs_ref[...] = h * dinv
        dinv_ref[...] = dinv

    return pl.pallas_call(
        body,
        grid=(N // R,),
        in_specs=[
            pl.BlockSpec((R, F), lambda i: (i, 0)),
            pl.BlockSpec((F, F), lambda i: (0, 0)),
            pl.BlockSpec((NC, R, L), lambda i: (0, i, 0)),
        ],
        out_specs=[
            pl.BlockSpec((R, F), lambda i: (i, 0)),
            pl.BlockSpec((R, 1), lambda i: (i, 0)),
        ],
        out_shape=[
            jax.ShapeDtypeStruct((N, F), jnp.float32),
            jax.ShapeDtypeStruct((N, 1), jnp.float32),
        ],
    )(x, W1, pdeg)


def _tc_k2(p1, hs1, dinv, b1, W2p):
    R = 1000

    def body(p_ref, hs_ref, dinv_ref, b_ref, w_ref, hs2_ref):
        dinv = dinv_ref[...]
        s = p_ref[0] + p_ref[1]
        h1o = jnp.maximum(dinv * s + dinv * hs_ref[...] + b_ref[...], 0.0)
        h2 = jnp.dot(h1o, w_ref[...], preferred_element_type=jnp.float32)
        hs2_ref[...] = h2 * dinv

    return pl.pallas_call(
        body,
        grid=(N // R,),
        in_specs=[
            pl.BlockSpec((NC, R, F), lambda i: (0, i, 0)),
            pl.BlockSpec((R, F), lambda i: (i, 0)),
            pl.BlockSpec((R, 1), lambda i: (i, 0)),
            pl.BlockSpec((1, F), lambda i: (0, 0)),
            pl.BlockSpec((F, L), lambda i: (0, 0)),
        ],
        out_specs=pl.BlockSpec((R, L), lambda i: (i, 0)),
        out_shape=jax.ShapeDtypeStruct((N, L), jnp.float32),
    )(p1, hs1, dinv, b1, W2p)


def _tc_k3(p2, hs2, dinv, b2p, Wfcp, bfc):
    R = 1000

    def body(p_ref, hs_ref, dinv_ref, b_ref, w_ref, bfc_ref, out_ref):
        dinv = dinv_ref[...]
        s = p_ref[0] + p_ref[1]
        a = jnp.maximum(dinv * s + dinv * hs_ref[...] + b_ref[...], 0.0)
        out_ref[...] = (
            jnp.dot(a, w_ref[...], preferred_element_type=jnp.float32)
            + bfc_ref[...])

    return pl.pallas_call(
        body,
        grid=(N // R,),
        in_specs=[
            pl.BlockSpec((NC, R, L), lambda i: (0, i, 0)),
            pl.BlockSpec((R, L), lambda i: (i, 0)),
            pl.BlockSpec((R, 1), lambda i: (i, 0)),
            pl.BlockSpec((1, L), lambda i: (0, 0)),
            pl.BlockSpec((L, 10), lambda i: (0, 0)),
            pl.BlockSpec((1, 10), lambda i: (0, 0)),
        ],
        out_specs=pl.BlockSpec((R, 10), lambda i: (i, 0)),
        out_shape=jax.ShapeDtypeStruct((N, 10), jnp.float32),
    )(p2, hs2, dinv, b2p, Wfcp, bfc)


def kernel(x, edge_index, W1, b1, W2, b2, Wfc, bfc):
    src = edge_index[0].astype(jnp.int32)
    dst = edge_index[1].astype(jnp.int32)
    pidx = jnp.arange(PAD, dtype=jnp.int32)
    srcP = jnp.concatenate([src, pidx % N]).reshape(E_PAD // CH, CH)
    dstP = jnp.concatenate([dst, N + (pidx % N_DUMMY)]).reshape(E_PAD // CH, CH)
    W2p = jnp.pad(W2, ((0, 0), (0, L - W2.shape[1])))
    b2p = jnp.pad(b2, (0, L - b2.shape[0]))[None, :]
    Wfcp = jnp.pad(Wfc, ((0, L - Wfc.shape[0]), (0, 0)))

    pdeg = _sc_degree(dstP)
    hs1, dinv = _tc_k1(x, W1, pdeg)
    p1 = _sc_propagate(srcP, dstP, hs1, F)
    hs2 = _tc_k2(p1, hs1, dinv, b1[None, :], W2p)
    p2 = _sc_propagate16(srcP, dstP, hs2)
    return _tc_k3(p2, hs2, dinv, b2p, Wfcp, bfc[None, :])

# --- scband reference (transcript-rebuilt; emitter-appended) ---
"""Pipeline reference for scband-gcnmodel-68917045232358 (READ-ONLY COPY).

The authoritative reference and input builder live on the scoring server;
editing this copy changes nothing except your own understanding.
"""

import jax, jax.numpy as jnp
import numpy as np

N_NODES = 10000
N_EDGES = 320000


def gcn_conv(x, edge_index, W, b):
    # Faithful PyG GCNConv: add self-loops, symmetric normalization, linear then propagate
    N = x.shape[0]
    loop = jnp.arange(N, dtype=edge_index.dtype)
    src = jnp.concatenate([edge_index[0], loop])
    dst = jnp.concatenate([edge_index[1], loop])
    h = x @ W
    deg = jnp.zeros((N,), dtype=x.dtype).at[dst].add(1.0)
    deg_inv_sqrt = jnp.where(deg > 0, deg ** -0.5, 0.0)
    norm = deg_inv_sqrt[src] * deg_inv_sqrt[dst]
    msgs = h[src] * norm[:, None]
    out = jax.ops.segment_sum(msgs, dst, num_segments=N)
    return out + b


def setup_inputs(seed: int = 0) -> dict:
    key = jax.random.key(seed)
    k = jax.random.split(key, 8)
    x = jax.random.normal(k[0], (N_NODES, 128), dtype=jnp.float32)
    edge_index = jax.random.randint(k[1], (2, N_EDGES), 0, N_NODES, dtype=jnp.int64)
    W1 = jax.random.normal(k[2], (128, 128), dtype=jnp.float32) * (1.0 / np.sqrt(128))
    b1 = jnp.zeros((128,), dtype=jnp.float32)
    W2 = jax.random.normal(k[3], (128, 4), dtype=jnp.float32) * (1.0 / np.sqrt(128))
    b2 = jnp.zeros((4,), dtype=jnp.float32)
    Wfc = jax.random.normal(k[4], (4, 10), dtype=jnp.float32) * (1.0 / np.sqrt(4))
    bfc = jnp.zeros((10,), dtype=jnp.float32)
    return {"x": x, "edge_index": edge_index, "W1": W1, "b1": b1, "W2": W2, "b2": b2, "Wfc": Wfc, "bfc": bfc}


def reference(x, edge_index, W1, b1, W2, b2, Wfc, bfc):
    h = jax.nn.relu(gcn_conv(x, edge_index, W1, b1))
    h = jax.nn.relu(gcn_conv(h, edge_index, W2, b2))
    out = h @ Wfc + bfc
    return out

if __name__ == "__main__":
    import jax
    _d = setup_inputs()
    print(jax.jit(kernel)(*tuple(_d.values())))

</pallas_src>

<mosaic_0001>
#map = affine_map<(d0, d1) -> (0, 0)>
#map1 = affine_map<(d0, d1) -> (0, 0, 0)>
module attributes {stable_mosaic.version = 14 : i64} {
  func.func @k(%arg0: i32, %arg1: i32, %arg2: memref<2560x128xi32, #tpu.memory_space<hbm>>, %arg3: memref<2560x128xi32, #tpu.memory_space<hbm>>, %arg4: memref<10000x128xf32, #tpu.memory_space<hbm>>, %arg5: memref<2x10112x128xf32, #tpu.memory_space<hbm>>, %arg6: memref<40x128xi32, #tpu.memory_space<vmem>>, %arg7: memref<40x128xi32, #tpu.memory_space<vmem>>, %arg8: memref<128x128xf32, #tpu.memory_space<vmem>>, %arg9: memref<10112x128xf32, #tpu.memory_space<vmem_shared>>, %arg10: memref<!tpu.dma_semaphore, #tpu.memory_space<semaphore_mem>>) attributes {dimension_semantics = [#tpu.dimension_semantics<core_parallel>, #tpu.dimension_semantics<subcore_parallel>], iteration_bounds = array<i64: 2, 16>, scalar_prefetch = 0 : i64, scratch_operands = 5 : i64, tpu.core_type = #tpu.core_type<sc_vector_subcore>, window_params = [{transform_indices = #map}, {transform_indices = #map}, {transform_indices = #map}, {transform_indices = #map1}]} {
    %mul3A = arith.constant 16 : i32
    %mul3A_0 = arith.muli %arg0, %mul3A : i32
    %add3A = arith.addi %mul3A_0, %arg1 : i32
    %broadcast_in_dim3A = arith.constant 0.000000e+00 : f32
    %broadcast_in_dim3A_1 = vector.broadcast %broadcast_in_dim3A : f32 to vector<16xf32>
    %scan3A = arith.constant 0 : i32
    %scan3A_2 = arith.constant 128 : i32
    %scan3A_3 = arith.addi %scan3A, %scan3A_2 : i32
    %scan3A_4 = arith.constant 1 : i32
    scf.for %scan3A_37 = %scan3A to %scan3A_3 step %scan3A_4  : i32 {
      %swap3A = arith.index_cast %scan3A_37 : i32 to index
      %swap3A_38 = arith.constant 0 : index
      %swap3A_39 = tpu.vector_load %arg8[%swap3A, %swap3A_38] {strides = array<i32>} : memref<128x128xf32, #tpu.memory_space<vmem>>, vector<1x16xf32>,
      %swap3A_40 = vector.shape_cast %swap3A_39 : vector<1x16xf32> to vector<16xf32>
      %swap3A_41 = vector.shape_cast %broadcast_in_dim3A_1 : vector<16xf32> to vector<1x16xf32>
      tpu.vector_store %arg8[%swap3A, %swap3A_38], %swap3A_41 {strides = array<i32>} : memref<128x128xf32, #tpu.memory_space<vmem>>, vector<1x16xf32>,
      %swap3A_42 = arith.index_cast %scan3A_37 : i32 to index
      %swap3A_43 = arith.constant 16 : index
      %swap3A_44 = tpu.vector_load %arg8[%swap3A_42, %swap3A_43] {strides = array<i32>} : memref<128x128xf32, #tpu.memory_space<vmem>>, vector<1x16xf32>,
      %swap3A_45 = vector.shape_cast %swap3A_44 : vector<1x16xf32> to vector<16xf32>
      %swap3A_46 = vector.shape_cast %broadcast_in_dim3A_1 : vector<16xf32> to vector<1x16xf32>
      tpu.vector_store %arg8[%swap3A_42, %swap3A_43], %swap3A_46 {strides = array<i32>} : memref<128x128xf32, #tpu.memory_space<vmem>>, vector<1x16xf32>,
      %swap3A_47 = arith.index_cast %scan3A_37 : i32 to index
      %swap3A_48 = arith.constant 32 : index
      %swap3A_49 = tpu.vector_load %arg8[%swap3A_47, %swap3A_48] {strides = array<i32>} : memref<128x128xf32, #tpu.memory_space<vmem>>, vector<1x16xf32>,
      %swap3A_50 = vector.shape_cast %swap3A_49 : vector<1x16xf32> to vector<16xf32>
      %swap3A_51 = vector.shape_cast %broadcast_in_dim3A_1 : vector<16xf32> to vector<1x16xf32>
      tpu.vector_store %arg8[%swap3A_47, %swap3A_48], %swap3A_51 {strides = array<i32>} : memref<128x128xf32, #tpu.memory_space<vmem>>, vector<1x16xf32>,
      %swap3A_52 = arith.index_cast %scan3A_37 : i32 to index
      %swap3A_53 = arith.constant 48 : index
      %swap3A_54 = tpu.vector_load %arg8[%swap3A_52, %swap3A_53] {strides = array<i32>} : memref<128x128xf32, #tpu.memory_space<vmem>>, vector<1x16xf32>,
      %swap3A_55 = vector.shape_cast %swap3A_54 : vector<1x16xf32> to vector<16xf32>
      %swap3A_56 = vector.shape_cast %broadcast_in_dim3A_1 : vector<16xf32> to vector<1x16xf32>
      tpu.vector_store %arg8[%swap3A_52, %swap3A_53], %swap3A_56 {strides = array<i32>} : memref<128x128xf32, #tpu.memory_space<vmem>>, vector<1x16xf32>,
      %swap3A_57 = arith.index_cast %scan3A_37 : i32 to index
      %swap3A_58 = arith.constant 64 : index
      %swap3A_59 = tpu.vector_load %arg8[%swap3A_57, %swap3A_58] {strides = array<i32>} : memref<128x128xf32, #tpu.memory_space<vmem>>, vector<1x16xf32>,
      %swap3A_60 = vector.shape_cast %swap3A_59 : vector<1x16xf32> to vector<16xf32>
      %swap3A_61 = vector.shape_cast %broadcast_in_dim3A_1 : vector<16xf32> to vector<1x16xf32>
      tpu.vector_store %arg8[%swap3A_57, %swap3A_58], %swap3A_61 {strides = array<i32>} : memref<128x128xf32, #tpu.memory_space<vmem>>, vector<1x16xf32>,
      %swap3A_62 = arith.index_cast %scan3A_37 : i32 to index
      %swap3A_63 = arith.constant 80 : index
      %swap3A_64 = tpu.vector_load %arg8[%swap3A_62, %swap3A_63] {strides = array<i32>} : memref<128x128xf32, #tpu.memory_space<vmem>>, vector<1x16xf32>,
      %swap3A_65 = vector.shape_cast %swap3A_64 : vector<1x16xf32> to vector<16xf32>
      %swap3A_66 = vector.shape_cast %broadcast_in_dim3A_1 : vector<16xf32> to vector<1x16xf32>
      tpu.vector_store %arg8[%swap3A_62, %swap3A_63], %swap3A_66 {strides = array<i32>} : memref<128x128xf32, #tpu.memory_space<vmem>>, vector<1x16xf32>,
      %swap3A_67 = arith.index_cast %scan3A_37 : i32 to index
      %swap3A_68 = arith.constant 96 : index
      %swap3A_69 = tpu.vector_load %arg8[%swap3A_67, %swap3A_68] {strides = array<i32>} : memref<128x128xf32, #tpu.memory_space<vmem>>, vector<1x16xf32>,
      %swap3A_70 = vector.shape_cast %swap3A_69 : vector<1x16xf32> to vector<16xf32>
      %swap3A_71 = vector.shape_cast %broadcast_in_dim3A_1 : vector<16xf32> to vector<1x16xf32>
      tpu.vector_store %arg8[%swap3A_67, %swap3A_68], %swap3A_71 {strides = array<i32>} : memref<128x128xf32, #tpu.memory_space<vmem>>, vector<1x16xf32>,
      %swap3A_72 = arith.index_cast %scan3A_37 : i32 to index
      %swap3A_73 = arith.constant 112 : index
      %swap3A_74 = tpu.vector_load %arg8[%swap3A_72, %swap3A_73] {strides = array<i32>} : memref<128x128xf32, #tpu.memory_space<vmem>>, vector<1x16xf32>,
      %swap3A_75 = vector.shape_cast %swap3A_74 : vector<1x16xf32> to vector<16xf32>
      %swap3A_76 = vector.shape_cast %broadcast_in_dim3A_1 : vector<16xf32> to vector<1x16xf32>
      tpu.vector_store %arg8[%swap3A_72, %swap3A_73], %swap3A_76 {strides = array<i32>} : memref<128x128xf32, #tpu.memory_space<vmem>>, vector<1x16xf32>,
    }
    %scan3A_5 = arith.constant 128 : i32
    %mul3A_6 = arith.constant 632 : i32
    %mul3A_7 = arith.muli %arg1, %mul3A_6 : i32
    %add3A_8 = arith.constant 0 : i32
    %add3A_9 = arith.addi %mul3A_7, %add3A_8 : i32
    "tpu.region"() ({
      %run_scoped3A = tpu.sem_alloc : memref<!tpu.dma_semaphore, #tpu.memory_space<semaphore_mem>>
      %dma_start3A = arith.constant 0 : i32
      %dma_start3A_37 = arith.constant 0 : i32
      %dma_start3A_38 = tpu.memref_slice %arg8[%dma_start3A, %dma_start3A_37] : memref<128x128xf32, #tpu.memory_space<vmem>> -> memref<128x128xf32, #tpu.memory_space<vmem>>
      %dma_start3A_39 = arith.constant 0 : i32
      %dma_start3A_40 = tpu.memref_slice %arg9[%add3A_9, %dma_start3A_39] : memref<10112x128xf32, #tpu.memory_space<vmem_shared>> -> memref<128x128xf32, #tpu.memory_space<vmem_shared>>
      %dma_start3A_41 = arith.constant 0 : i32
      %dma_start3A_42 = tpu.memref_slice %arg9[%add3A_9, %dma_start3A_41] : memref<10112x128xf32, #tpu.memory_space<vmem_shared>> -> memref<128x128xf32, #tpu.memory_space<vmem_shared>>
      %dma_start3A_43 = arith.constant 0 : i32
      %dma_start3A_44 = arith.constant 0 : i32
      %dma_start3A_45 = tpu.memref_slice %arg8[%dma_start3A_43, %dma_start3A_44] : memref<128x128xf32, #tpu.memory_space<vmem>> -> memref<128x128xf32, #tpu.memory_space<vmem>>
      tpu.enqueue_dma source(%dma_start3A_45 : memref<128x128xf32, #tpu.memory_space<vmem>>) target(%dma_start3A_42 : memref<128x128xf32, #tpu.memory_space<vmem_shared>>) target_semaphore(%run_scoped3A : memref<!tpu.dma_semaphore, #tpu.memory_space<semaphore_mem>>)
      %dma_wait3A = arith.constant 0 : i32
      %dma_wait3A_46 = arith.constant 0 : i32
      %dma_wait3A_47 = tpu.memref_slice %arg8[%dma_wait3A, %dma_wait3A_46] : memref<128x128xf32, #tpu.memory_space<vmem>> -> memref<128x128xf32, #tpu.memory_space<vmem>>
      %dma_wait3A_48 = arith.constant 0 : i32
      %dma_wait3A_49 = tpu.memref_slice %arg9[%add3A_9, %dma_wait3A_48] : memref<10112x128xf32, #tpu.memory_space<vmem_shared>> -> memref<128x128xf32, #tpu.memory_space<vmem_shared>>
      %dma_wait3A_50 = arith.constant 0 : i32
      %dma_wait3A_51 = tpu.memref_slice %arg9[%add3A_9, %dma_wait3A_50] : memref<10112x128xf32, #tpu.memory_space<vmem_shared>> -> memref<128x128xf32, #tpu.memory_space<vmem_shared>>
      %dma_wait3A_52 = arith.constant 0 : i32
      %dma_wait3A_53 = arith.constant 0 : i32
      %dma_wait3A_54 = tpu.memref_slice %arg8[%dma_wait3A_52, %dma_wait3A_53] : memref<128x128xf32, #tpu.memory_space<vmem>> -> memref<128x128xf32, #tpu.memory_space<vmem>>
      tpu.wait_dma2 semaphore(%run_scoped3A : memref<!tpu.dma_semaphore, #tpu.memory_space<semaphore_mem>>) src(%dma_wait3A_54 : memref<128x128xf32, #tpu.memory_space<vmem>>) dst(%dma_wait3A_51 : memref<128x128xf32, #tpu.memory_space<vmem_shared>>)
      tpu.yield
    }) : () -> ()
    %add3A_10 = arith.constant 128 : i32
    %add3A_11 = arith.addi %mul3A_7, %add3A_10 : i32
    "tpu.region"() ({
      %run_scoped3A = tpu.sem_alloc : memref<!tpu.dma_semaphore, #tpu.memory_space<semaphore_mem>>
      %dma_start3A = arith.constant 0 : i32
      %dma_start3A_37 = arith.constant 0 : i32
      %dma_start3A_38 = tpu.memref_slice %arg8[%dma_start3A, %dma_start3A_37] : memref<128x128xf32, #tpu.memory_space<vmem>> -> memref<128x128xf32, #tpu.memory_space<vmem>>
      %dma_start3A_39 = arith.constant 0 : i32
      %dma_start3A_40 = tpu.memref_slice %arg9[%add3A_11, %dma_start3A_39] : memref<10112x128xf32, #tpu.memory_space<vmem_shared>> -> memref<128x128xf32, #tpu.memory_space<vmem_shared>>
      %dma_start3A_41 = arith.constant 0 : i32
      %dma_start3A_42 = tpu.memref_slice %arg9[%add3A_11, %dma_start3A_41] : memref<10112x128xf32, #tpu.memory_space<vmem_shared>> -> memref<128x128xf32, #tpu.memory_space<vmem_shared>>
      %dma_start3A_43 = arith.constant 0 : i32
      %dma_start3A_44 = arith.constant 0 : i32
      %dma_start3A_45 = tpu.memref_slice %arg8[%dma_start3A_43, %dma_start3A_44] : memref<128x128xf32, #tpu.memory_space<vmem>> -> memref<128x128xf32, #tpu.memory_space<vmem>>
      tpu.enqueue_dma source(%dma_start3A_45 : memref<128x128xf32, #tpu.memory_space<vmem>>) target(%dma_start3A_42 : memref<128x128xf32, #tpu.memory_space<vmem_shared>>) target_semaphore(%run_scoped3A : memref<!tpu.dma_semaphore, #tpu.memory_space<semaphore_mem>>)
      %dma_wait3A = arith.constant 0 : i32
      %dma_wait3A_46 = arith.constant 0 : i32
      %dma_wait3A_47 = tpu.memref_slice %arg8[%dma_wait3A, %dma_wait3A_46] : memref<128x128xf32, #tpu.memory_space<vmem>> -> memref<128x128xf32, #tpu.memory_space<vmem>>
      %dma_wait3A_48 = arith.constant 0 : i32
      %dma_wait3A_49 = tpu.memref_slice %arg9[%add3A_11, %dma_wait3A_48] : memref<10112x128xf32, #tpu.memory_space<vmem_shared>> -> memref<128x128xf32, #tpu.memory_space<vmem_shared>>
      %dma_wait3A_50 = arith.constant 0 : i32
      %dma_wait3A_51 = tpu.memref_slice %arg9[%add3A_11, %dma_wait3A_50] : memref<10112x128xf32, #tpu.memory_space<vmem_shared>> -> memref<128x128xf32, #tpu.memory_space<vmem_shared>>
      %dma_wait3A_52 = arith.constant 0 : i32
      %dma_wait3A_53 = arith.constant 0 : i32
      %dma_wait3A_54 = tpu.memref_slice %arg8[%dma_wait3A_52, %dma_wait3A_53] : memref<128x128xf32, #tpu.memory_space<vmem>> -> memref<128x128xf32, #tpu.memory_space<vmem>>
      tpu.wait_dma2 semaphore(%run_scoped3A : memref<!tpu.dma_semaphore, #tpu.memory_space<semaphore_mem>>) src(%dma_wait3A_54 : memref<128x128xf32, #tpu.memory_space<vmem>>) dst(%dma_wait3A_51 : memref<128x128xf32, #tpu.memory_space<vmem_shared>>)
      tpu.yield
    }) : () -> ()
    %add3A_12 = arith.constant 256 : i32
    %add3A_13 = arith.addi %mul3A_7, %add3A_12 : i32
    "tpu.region"() ({
      %run_scoped3A = tpu.sem_alloc : memref<!tpu.dma_semaphore, #tpu.memory_space<semaphore_mem>>
      %dma_start3A = arith.constant 0 : i32
      %dma_start3A_37 = arith.constant 0 : i32
      %dma_start3A_38 = tpu.memref_slice %arg8[%dma_start3A, %dma_start3A_37] : memref<128x128xf32, #tpu.memory_space<vmem>> -> memref<128x128xf32, #tpu.memory_space<vmem>>
      %dma_start3A_39 = arith.constant 0 : i32
      %dma_start3A_40 = tpu.memref_slice %arg9[%add3A_13, %dma_start3A_39] : memref<10112x128xf32, #tpu.memory_space<vmem_shared>> -> memref<128x128xf32, #tpu.memory_space<vmem_shared>>
      %dma_start3A_41 = arith.constant 0 : i32
      %dma_start3A_42 = tpu.memref_slice %arg9[%add3A_13, %dma_start3A_41] : memref<10112x128xf32, #tpu.memory_space<vmem_shared>> -> memref<128x128xf32, #tpu.memory_space<vmem_shared>>
      %dma_start3A_43 = arith.constant 0 : i32
      %dma_start3A_44 = arith.constant 0 : i32
      %dma_start3A_45 = tpu.memref_slice %arg8[%dma_start3A_43, %dma_start3A_44] : memref<128x128xf32, #tpu.memory_space<vmem>> -> memref<128x128xf32, #tpu.memory_space<vmem>>
      tpu.enqueue_dma source(%dma_start3A_45 : memref<128x128xf32, #tpu.memory_space<vmem>>) target(%dma_start3A_42 : memref<128x128xf32, #tpu.memory_space<vmem_shared>>) target_semaphore(%run_scoped3A : memref<!tpu.dma_semaphore, #tpu.memory_space<semaphore_mem>>)
      %dma_wait3A = arith.constant 0 : i32
      %dma_wait3A_46 = arith.constant 0 : i32
      %dma_wait3A_47 = tpu.memref_slice %arg8[%dma_wait3A, %dma_wait3A_46] : memref<128x128xf32, #tpu.memory_space<vmem>> -> memref<128x128xf32, #tpu.memory_space<vmem>>
      %dma_wait3A_48 = arith.constant 0 : i32
      %dma_wait3A_49 = tpu.memref_slice %arg9[%add3A_13, %dma_wait3A_48] : memref<10112x128xf32, #tpu.memory_space<vmem_shared>> -> memref<128x128xf32, #tpu.memory_space<vmem_shared>>
      %dma_wait3A_50 = arith.constant 0 : i32
      %dma_wait3A_51 = tpu.memref_slice %arg9[%add3A_13, %dma_wait3A_50] : memref<10112x128xf32, #tpu.memory_space<vmem_shared>> -> memref<128x128xf32, #tpu.memory_space<vmem_shared>>
      %dma_wait3A_52 = arith.constant 0 : i32
      %dma_wait3A_53 = arith.constant 0 : i32
      %dma_wait3A_54 = tpu.memref_slice %arg8[%dma_wait3A_52, %dma_wait3A_53] : memref<128x128xf32, #tpu.memory_space<vmem>> -> memref<128x128xf32, #tpu.memory_space<vmem>>
      tpu.wait_dma2 semaphore(%run_scoped3A : memref<!tpu.dma_semaphore, #tpu.memory_space<semaphore_mem>>) src(%dma_wait3A_54 : memref<128x128xf32, #tpu.memory_space<vmem>>) dst(%dma_wait3A_51 : memref<128x128xf32, #tpu.memory_space<vmem_shared>>)
      tpu.yield
    }) : () -> ()
    %add3A_14 = arith.constant 384 : i32
    %add3A_15 = arith.addi %mul3A_7, %add3A_14 : i32
    "tpu.region"() ({
      %run_scoped3A = tpu.sem_alloc : memref<!tpu.dma_semaphore, #tpu.memory_space<semaphore_mem>>
      %dma_start3A = arith.constant 0 : i32
      %dma_start3A_37 = arith.constant 0 : i32
      %dma_start3A_38 = tpu.memref_slice %arg8[%dma_start3A, %dma_start3A_37] : memref<128x128xf32, #tpu.memory_space<vmem>> -> memref<128x128xf32, #tpu.memory_space<vmem>>
      %dma_start3A_39 = arith.constant 0 : i32
      %dma_start3A_40 = tpu.memref_slice %arg9[%add3A_15, %dma_start3A_39] : memref<10112x128xf32, #tpu.memory_space<vmem_shared>> -> memref<128x128xf32, #tpu.memory_space<vmem_shared>>
      %dma_start3A_41 = arith.constant 0 : i32
      %dma_start3A_42 = tpu.memref_slice %arg9[%add3A_15, %dma_start3A_41] : memref<10112x128xf32, #tpu.memory_space<vmem_shared>> -> memref<128x128xf32, #tpu.memory_space<vmem_shared>>
      %dma_start3A_43 = arith.constant 0 : i32
      %dma_start3A_44 = arith.constant 0 : i32
      %dma_start3A_45 = tpu.memref_slice %arg8[%dma_start3A_43, %dma_start3A_44] : memref<128x128xf32, #tpu.memory_space<vmem>> -> memref<128x128xf32, #tpu.memory_space<vmem>>
      tpu.enqueue_dma source(%dma_start3A_45 : memref<128x128xf32, #tpu.memory_space<vmem>>) target(%dma_start3A_42 : memref<128x128xf32, #tpu.memory_space<vmem_shared>>) target_semaphore(%run_scoped3A : memref<!tpu.dma_semaphore, #tpu.memory_space<semaphore_mem>>)
      %dma_wait3A = arith.constant 0 : i32
      %dma_wait3A_46 = arith.constant 0 : i32
      %dma_wait3A_47 = tpu.memref_slice %arg8[%dma_wait3A, %dma_wait3A_46] : memref<128x128xf32, #tpu.memory_space<vmem>> -> memref<128x128xf32, #tpu.memory_space<vmem>>
      %dma_wait3A_48 = arith.constant 0 : i32
      %dma_wait3A_49 = tpu.memref_slice %arg9[%add3A_15, %dma_wait3A_48] : memref<10112x128xf32, #tpu.memory_space<vmem_shared>> -> memref<128x128xf32, #tpu.memory_space<vmem_shared>>
      %dma_wait3A_50 = arith.constant 0 : i32
      %dma_wait3A_51 = tpu.memref_slice %arg9[%add3A_15, %dma_wait3A_50] : memref<10112x128xf32, #tpu.memory_space<vmem_shared>> -> memref<128x128xf32, #tpu.memory_space<vmem_shared>>
      %dma_wait3A_52 = arith.constant 0 : i32
      %dma_wait3A_53 = arith.constant 0 : i32
      %dma_wait3A_54 = tpu.memref_slice %arg8[%dma_wait3A_52, %dma_wait3A_53] : memref<128x128xf32, #tpu.memory_space<vmem>> -> memref<128x128xf32, #tpu.memory_space<vmem>>
      tpu.wait_dma2 semaphore(%run_scoped3A : memref<!tpu.dma_semaphore, #tpu.memory_space<semaphore_mem>>) src(%dma_wait3A_54 : memref<128x128xf32, #tpu.memory_space<vmem>>) dst(%dma_wait3A_51 : memref<128x128xf32, #tpu.memory_space<vmem_shared>>)
      tpu.yield
    }) : () -> ()
    %add3A_16 = arith.constant 512 : i32
    %add3A_17 = arith.addi %mul3A_7, %add3A_16 : i32
    "tpu.region"() ({
      %run_scoped3A = tpu.sem_alloc : memref<!tpu.dma_semaphore, #tpu.memory_space<semaphore_mem>>
      %dma_start3A = arith.constant 0 : i32
      %dma_start3A_37 = arith.constant 0 : i32
      %dma_start3A_38 = tpu.memref_slice %arg8[%dma_start3A, %dma_start3A_37] : memref<128x128xf32, #tpu.memory_space<vmem>> -> memref<120x128xf32, #tpu.memory_space<vmem>>
      %dma_start3A_39 = arith.constant 0 : i32
      %dma_start3A_40 = tpu.memref_slice %arg9[%add3A_17, %dma_start3A_39] : memref<10112x128xf32, #tpu.memory_space<vmem_shared>> -> memref<120x128xf32, #tpu.memory_space<vmem_shared>>
      %dma_start3A_41 = arith.constant 0 : i32
      %dma_start3A_42 = tpu.memref_slice %arg9[%add3A_17, %dma_start3A_41] : memref<10112x128xf32, #tpu.memory_space<vmem_shared>> -> memref<120x128xf32, #tpu.memory_space<vmem_shared>>
      %dma_start3A_43 = arith.constant 0 : i32
      %dma_start3A_44 = arith.constant 0 : i32
      %dma_start3A_45 = tpu.memref_slice %arg8[%dma_start3A_43, %dma_start3A_44] : memref<128x128xf32, #tpu.memory_space<vmem>> -> memref<120x128xf32, #tpu.memory_space<vmem>>
      tpu.enqueue_dma source(%dma_start3A_45 : memref<120x128xf32, #tpu.memory_space<vmem>>) target(%dma_start3A_42 : memref<120x128xf32, #tpu.memory_space<vmem_shared>>) target_semaphore(%run_scoped3A : memref<!tpu.dma_semaphore, #tpu.memory_space<semaphore_mem>>)
      %dma_wait3A = arith.constant 0 : i32
      %dma_wait3A_46 = arith.constant 0 : i32
      %dma_wait3A_47 = tpu.memref_slice %arg8[%dma_wait3A, %dma_wait3A_46] : memref<128x128xf32, #tpu.memory_space<vmem>> -> memref<120x128xf32, #tpu.memory_space<vmem>>
      %dma_wait3A_48 = arith.constant 0 : i32
      %dma_wait3A_49 = tpu.memref_slice %arg9[%add3A_17, %dma_wait3A_48] : memref<10112x128xf32, #tpu.memory_space<vmem_shared>> -> memref<120x128xf32, #tpu.memory_space<vmem_shared>>
      %dma_wait3A_50 = arith.constant 0 : i32
      %dma_wait3A_51 = tpu.memref_slice %arg9[%add3A_17, %dma_wait3A_50] : memref<10112x128xf32, #tpu.memory_space<vmem_shared>> -> memref<120x128xf32, #tpu.memory_space<vmem_shared>>
      %dma_wait3A_52 = arith.constant 0 : i32
      %dma_wait3A_53 = arith.constant 0 : i32
      %dma_wait3A_54 = tpu.memref_slice %arg8[%dma_wait3A_52, %dma_wait3A_53] : memref<128x128xf32, #tpu.memory_space<vmem>> -> memref<120x128xf32, #tpu.memory_space<vmem>>
      tpu.wait_dma2 semaphore(%run_scoped3A : memref<!tpu.dma_semaphore, #tpu.memory_space<semaphore_mem>>) src(%dma_wait3A_54 : memref<120x128xf32, #tpu.memory_space<vmem>>) dst(%dma_wait3A_51 : memref<120x128xf32, #tpu.memory_space<vmem_shared>>)
      tpu.yield
    }) : () -> ()
    %barrier3A = arith.constant 0 : index
    tpu.barrier barrier_id(%barrier3A)
    %mul3A_18 = arith.constant 80 : i32
    %mul3A_19 = arith.muli %add3A, %mul3A_18 : i32
    %add3A_20 = arith.constant 0 : i32
    %add3A_21 = arith.addi %mul3A_19, %add3A_20 : i32
    "tpu.region"() ({
      %run_scoped3A = tpu.sem_alloc : memref<!tpu.dma_semaphore, #tpu.memory_space<semaphore_mem>>
      %dma_start3A = arith.constant 0 : i32
      %dma_start3A_37 = tpu.memref_slice %arg2[%add3A_21, %dma_start3A] : memref<2560x128xi32, #tpu.memory_space<hbm>> -> memref<40x128xi32, #tpu.memory_space<hbm>>
      %dma_start3A_38 = arith.constant 0 : i32
      %dma_start3A_39 = tpu.memref_slice %arg2[%add3A_21, %dma_start3A_38] : memref<2560x128xi32, #tpu.memory_space<hbm>> -> memref<40x128xi32, #tpu.memory_space<hbm>>
      tpu.enqueue_dma source(%dma_start3A_39 : memref<40x128xi32, #tpu.memory_space<hbm>>) target(%arg6 : memref<40x128xi32, #tpu.memory_space<vmem>>) target_semaphore(%run_scoped3A : memref<!tpu.dma_semaphore, #tpu.memory_space<semaphore_mem>>)
      %dma_wait3A = arith.constant 0 : i32
      %dma_wait3A_40 = tpu.memref_slice %arg2[%add3A_21, %dma_wait3A] : memref<2560x128xi32, #tpu.memory_space<hbm>> -> memref<40x128xi32, #tpu.memory_space<hbm>>
      %dma_wait3A_41 = arith.constant 0 : i32
      %dma_wait3A_42 = tpu.memref_slice %arg2[%add3A_21, %dma_wait3A_41] : memref<2560x128xi32, #tpu.memory_space<hbm>> -> memref<40x128xi32, #tpu.memory_space<hbm>>
      tpu.wait_dma2 semaphore(%run_scoped3A : memref<!tpu.dma_semaphore, #tpu.memory_space<semaphore_mem>>) src(%dma_wait3A_42 : memref<40x128xi32, #tpu.memory_space<hbm>>) dst(%arg6 : memref<40x128xi32, #tpu.memory_space<vmem>>)
      tpu.yield
    }) : () -> ()
    "tpu.region"() ({
      %run_scoped3A = tpu.sem_alloc : memref<!tpu.dma_semaphore, #tpu.memory_space<semaphore_mem>>
      %dma_start3A = arith.constant 0 : i32
      %dma_start3A_37 = tpu.memref_slice %arg3[%add3A_21, %dma_start3A] : memref<2560x128xi32, #tpu.memory_space<hbm>> -> memref<40x128xi32, #tpu.memory_space<hbm>>
      %dma_start3A_38 = arith.constant 0 : i32
      %dma_start3A_39 = tpu.memref_slice %arg3[%add3A_21, %dma_start3A_38] : memref<2560x128xi32, #tpu.memory_space<hbm>> -> memref<40x128xi32, #tpu.memory_space<hbm>>
      tpu.enqueue_dma source(%dma_start3A_39 : memref<40x128xi32, #tpu.memory_space<hbm>>) target(%arg7 : memref<40x128xi32, #tpu.memory_space<vmem>>) target_semaphore(%run_scoped3A : memref<!tpu.dma_semaphore, #tpu.memory_space<semaphore_mem>>)
      %dma_wait3A = arith.constant 0 : i32
      %dma_wait3A_40 = tpu.memref_slice %arg3[%add3A_21, %dma_wait3A] : memref<2560x128xi32, #tpu.memory_space<hbm>> -> memref<40x128xi32, #tpu.memory_space<hbm>>
      %dma_wait3A_41 = arith.constant 0 : i32
      %dma_wait3A_42 = tpu.memref_slice %arg3[%add3A_21, %dma_wait3A_41] : memref<2560x128xi32, #tpu.memory_space<hbm>> -> memref<40x128xi32, #tpu.memory_space<hbm>>
      tpu.wait_dma2 semaphore(%run_scoped3A : memref<!tpu.dma_semaphore, #tpu.memory_space<semaphore_mem>>) src(%dma_wait3A_42 : memref<40x128xi32, #tpu.memory_space<hbm>>) dst(%arg7 : memref<40x128xi32, #tpu.memory_space<vmem>>)
      tpu.yield
    }) : () -> ()
    %scan3A_22 = arith.constant 0 : i32
    %scan3A_23 = arith.constant 40 : i32
    %scan3A_24 = arith.addi %scan3A_22, %scan3A_23 : i32
    %scan3A_25 = arith.constant 1 : i32
    scf.for %scan3A_37 = %scan3A_22 to %scan3A_24 step %scan3A_25  : i32 {
      %dma_start3A = arith.constant 0 : i32
      %dma_start3A_38 = tpu.memref_slice %arg6[%scan3A_37, %dma_start3A] : memref<40x128xi32, #tpu.memory_space<vmem>> -> memref<1x128xi32, #tpu.memory_space<vmem>>
      %dma_start3A_39 = tpu.memref_squeeze %dma_start3A_38 : memref<1x128xi32, #tpu.memory_space<vmem>> -> memref<128xi32, #tpu.memory_space<vmem>>
      %dma_start3A_40 = arith.constant 0 : i32
      %dma_start3A_41 = arith.constant 0 : i32
      %dma_start3A_42 = tpu.memref_slice %arg4[%dma_start3A_40, %dma_start3A_41] : memref<10000x128xf32, #tpu.memory_space<hbm>> -> memref<10000x128xf32, #tpu.memory_space<hbm>>
      tpu.enqueue_indirect_dma source(%dma_start3A_42 : memref<10000x128xf32, #tpu.memory_space<hbm>>) target(%arg8 : memref<128x128xf32, #tpu.memory_space<vmem>>) offsets(%dma_start3A_39 : memref<128xi32, #tpu.memory_space<vmem>>) semaphore(%arg10 : memref<!tpu.dma_semaphore, #tpu.memory_space<semaphore_mem>>)
      %dma_wait3A = arith.constant 0 : i32
      %dma_wait3A_43 = tpu.memref_slice %arg6[%scan3A_37, %dma_wait3A] : memref<40x128xi32, #tpu.memory_space<vmem>> -> memref<1x128xi32, #tpu.memory_space<vmem>>
      %dma_wait3A_44 = tpu.memref_squeeze %dma_wait3A_43 : memref<1x128xi32, #tpu.memory_space<vmem>> -> memref<128xi32, #tpu.memory_space<vmem>>
      %dma_wait3A_45 = arith.constant 0 : i32
      %dma_wait3A_46 = arith.constant 0 : i32
      %dma_wait3A_47 = tpu.memref_slice %arg4[%dma_wait3A_45, %dma_wait3A_46] : memref<10000x128xf32, #tpu.memory_space<hbm>> -> memref<10000x128xf32, #tpu.memory_space<hbm>>
      tpu.wait_indirect_dma semaphore(%arg10 : memref<!tpu.dma_semaphore, #tpu.memory_space<semaphore_mem>>) src(%dma_wait3A_47 : memref<10000x128xf32, #tpu.memory_space<hbm>>) dst(%arg8 : memref<128x128xf32, #tpu.memory_space<vmem>>)
      "tpu.region"() ({
        %run_scoped3A = tpu.sem_alloc : memref<!tpu.dma_semaphore, #tpu.memory_space<semaphore_mem>>
        %dma_start3A_48 = arith.constant 0 : i32
        %dma_start3A_49 = tpu.memref_slice %arg7[%scan3A_37, %dma_start3A_48] : memref<40x128xi32, #tpu.memory_space<vmem>> -> memref<1x128xi32, #tpu.memory_space<vmem>>
        %dma_start3A_50 = tpu.memref_squeeze %dma_start3A_49 : memref<1x128xi32, #tpu.memory_space<vmem>> -> memref<128xi32, #tpu.memory_space<vmem>>
        %dma_start3A_51 = arith.constant 0 : i32
        %dma_start3A_52 = arith.constant 0 : i32
        %dma_start3A_53 = tpu.memref_slice %arg9[%dma_start3A_51, %dma_start3A_52] : memref<10112x128xf32, #tpu.memory_space<vmem_shared>> -> memref<10112x128xf32, #tpu.memory_space<vmem_shared>>
        tpu.enqueue_indirect_dma source(%arg8 : memref<128x128xf32, #tpu.memory_space<vmem>>) target(%dma_start3A_53 : memref<10112x128xf32, #tpu.memory_space<vmem_shared>>) offsets(%dma_start3A_50 : memref<128xi32, #tpu.memory_space<vmem>>) semaphore(%run_scoped3A : memref<!tpu.dma_semaphore, #tpu.memory_space<semaphore_mem>>) {add = true}
        %dma_wait3A_54 = arith.constant 0 : i32
        %dma_wait3A_55 = tpu.memref_slice %arg7[%scan3A_37, %dma_wait3A_54] : memref<40x128xi32, #tpu.memory_space<vmem>> -> memref<1x128xi32, #tpu.memory_space<vmem>>
        %dma_wait3A_56 = tpu.memref_squeeze %dma_wait3A_55 : memref<1x128xi32, #tpu.memory_space<vmem>> -> memref<128xi32, #tpu.memory_space<vmem>>
        %dma_wait3A_57 = arith.constant 0 : i32
        %dma_wait3A_58 = arith.constant 0 : i32
        %dma_wait3A_59 = tpu.memref_slice %arg9[%dma_wait3A_57, %dma_wait3A_58] : memref<10112x128xf32, #tpu.memory_space<vmem_shared>> -> memref<10112x128xf32, #tpu.memory_space<vmem_shared>>
        tpu.wait_indirect_dma semaphore(%run_scoped3A : memref<!tpu.dma_semaphore, #tpu.memory_space<semaphore_mem>>) src(%arg8 : memref<128x128xf32, #tpu.memory_space<vmem>>) dst(%dma_wait3A_59 : memref<10112x128xf32, #tpu.memory_space<vmem_shared>>)
        tpu.yield
      }) : () -> ()
    }
    %scan3A_26 = arith.constant 40 : i32
    %mul3A_27 = arith.constant 80 : i32
    %mul3A_28 = arith.muli %add3A, %mul3A_27 : i32
    %add3A_29 = arith.constant 40 : i32
    %add3A_30 = arith.addi %mul3A_28, %add3A_29 : i32
    "tpu.region"() ({
      %run_scoped3A = tpu.sem_alloc : memref<!tpu.dma_semaphore, #tpu.memory_space<semaphore_mem>>
      %dma_start3A = arith.constant 0 : i32
      %dma_start3A_37 = tpu.memref_slice %arg2[%add3A_30, %dma_start3A] : memref<2560x128xi32, #tpu.memory_space<hbm>> -> memref<40x128xi32, #tpu.memory_space<hbm>>
      %dma_start3A_38 = arith.constant 0 : i32
      %dma_start3A_39 = tpu.memref_slice %arg2[%add3A_30, %dma_start3A_38] : memref<2560x128xi32, #tpu.memory_space<hbm>> -> memref<40x128xi32, #tpu.memory_space<hbm>>
      tpu.enqueue_dma source(%dma_start3A_39 : memref<40x128xi32, #tpu.memory_space<hbm>>) target(%arg6 : memref<40x128xi32, #tpu.memory_space<vmem>>) target_semaphore(%run_scoped3A : memref<!tpu.dma_semaphore, #tpu.memory_space<semaphore_mem>>)
      %dma_wait3A = arith.constant 0 : i32
      %dma_wait3A_40 = tpu.memref_slice %arg2[%add3A_30, %dma_wait3A] : memref<2560x128xi32, #tpu.memory_space<hbm>> -> memref<40x128xi32, #tpu.memory_space<hbm>>
      %dma_wait3A_41 = arith.constant 0 : i32
      %dma_wait3A_42 = tpu.memref_slice %arg2[%add3A_30, %dma_wait3A_41] : memref<2560x128xi32, #tpu.memory_space<hbm>> -> memref<40x128xi32, #tpu.memory_space<hbm>>
      tpu.wait_dma2 semaphore(%run_scoped3A : memref<!tpu.dma_semaphore, #tpu.memory_space<semaphore_mem>>) src(%dma_wait3A_42 : memref<40x128xi32, #tpu.memory_space<hbm>>) dst(%arg6 : memref<40x128xi32, #tpu.memory_space<vmem>>)
      tpu.yield
    }) : () -> ()
    "tpu.region"() ({
      %run_scoped3A = tpu.sem_alloc : memref<!tpu.dma_semaphore, #tpu.memory_space<semaphore_mem>>
      %dma_start3A = arith.constant 0 : i32
      %dma_start3A_37 = tpu.memref_slice %arg3[%add3A_30, %dma_start3A] : memref<2560x128xi32, #tpu.memory_space<hbm>> -> memref<40x128xi32, #tpu.memory_space<hbm>>
      %dma_start3A_38 = arith.constant 0 : i32
      %dma_start3A_39 = tpu.memref_slice %arg3[%add3A_30, %dma_start3A_38] : memref<2560x128xi32, #tpu.memory_space<hbm>> -> memref<40x128xi32, #tpu.memory_space<hbm>>
      tpu.enqueue_dma source(%dma_start3A_39 : memref<40x128xi32, #tpu.memory_space<hbm>>) target(%arg7 : memref<40x128xi32, #tpu.memory_space<vmem>>) target_semaphore(%run_scoped3A : memref<!tpu.dma_semaphore, #tpu.memory_space<semaphore_mem>>)
      %dma_wait3A = arith.constant 0 : i32
      %dma_wait3A_40 = tpu.memref_slice %arg3[%add3A_30, %dma_wait3A] : memref<2560x128xi32, #tpu.memory_space<hbm>> -> memref<40x128xi32, #tpu.memory_space<hbm>>
      %dma_wait3A_41 = arith.constant 0 : i32
      %dma_wait3A_42 = tpu.memref_slice %arg3[%add3A_30, %dma_wait3A_41] : memref<2560x128xi32, #tpu.memory_space<hbm>> -> memref<40x128xi32, #tpu.memory_space<hbm>>
      tpu.wait_dma2 semaphore(%run_scoped3A : memref<!tpu.dma_semaphore, #tpu.memory_space<semaphore_mem>>) src(%dma_wait3A_42 : memref<40x128xi32, #tpu.memory_space<hbm>>) dst(%arg7 : memref<40x128xi32, #tpu.memory_space<vmem>>)
      tpu.yield
    }) : () -> ()
    %scan3A_31 = arith.constant 0 : i32
    %scan3A_32 = arith.constant 40 : i32
    %scan3A_33 = arith.addi %scan3A_31, %scan3A_32 : i32
    %scan3A_34 = arith.constant 1 : i32
    scf.for %scan3A_37 = %scan3A_31 to %scan3A_33 step %scan3A_34  : i32 {
      %dma_start3A = arith.constant 0 : i32
      %dma_start3A_38 = tpu.memref_slice %arg6[%scan3A_37, %dma_start3A] : memref<40x128xi32, #tpu.memory_space<vmem>> -> memref<1x128xi32, #tpu.memory_space<vmem>>
      %dma_start3A_39 = tpu.memref_squeeze %dma_start3A_38 : memref<1x128xi32, #tpu.memory_space<vmem>> -> memref<128xi32, #tpu.memory_space<vmem>>
      %dma_start3A_40 = arith.constant 0 : i32
      %dma_start3A_41 = arith.constant 0 : i32
      %dma_start3A_42 = tpu.memref_slice %arg4[%dma_start3A_40, %dma_start3A_41] : memref<10000x128xf32, #tpu.memory_space<hbm>> -> memref<10000x128xf32, #tpu.memory_space<hbm>>
      tpu.enqueue_indirect_dma source(%dma_start3A_42 : memref<10000x128xf32, #tpu.memory_space<hbm>>) target(%arg8 : memref<128x128xf32, #tpu.memory_space<vmem>>) offsets(%dma_start3A_39 : memref<128xi32, #tpu.memory_space<vmem>>) semaphore(%arg10 : memref<!tpu.dma_semaphore, #tpu.memory_space<semaphore_mem>>)
      %dma_wait3A = arith.constant 0 : i32
      %dma_wait3A_43 = tpu.memref_slice %arg6[%scan3A_37, %dma_wait3A] : memref<40x128xi32, #tpu.memory_space<vmem>> -> memref<1x128xi32, #tpu.memory_space<vmem>>
      %dma_wait3A_44 = tpu.memref_squeeze %dma_wait3A_43 : memref<1x128xi32, #tpu.memory_space<vmem>> -> memref<128xi32, #tpu.memory_space<vmem>>
      %dma_wait3A_45 = arith.constant 0 : i32
      %dma_wait3A_46 = arith.constant 0 : i32
      %dma_wait3A_47 = tpu.memref_slice %arg4[%dma_wait3A_45, %dma_wait3A_46] : memref<10000x128xf32, #tpu.memory_space<hbm>> -> memref<10000x128xf32, #tpu.memory_space<hbm>>
      tpu.wait_indirect_dma semaphore(%arg10 : memref<!tpu.dma_semaphore, #tpu.memory_space<semaphore_mem>>) src(%dma_wait3A_47 : memref<10000x128xf32, #tpu.memory_space<hbm>>) dst(%arg8 : memref<128x128xf32, #tpu.memory_space<vmem>>)
      "tpu.region"() ({
        %run_scoped3A = tpu.sem_alloc : memref<!tpu.dma_semaphore, #tpu.memory_space<semaphore_mem>>
        %dma_start3A_48 = arith.constant 0 : i32
        %dma_start3A_49 = tpu.memref_slice %arg7[%scan3A_37, %dma_start3A_48] : memref<40x128xi32, #tpu.memory_space<vmem>> -> memref<1x128xi32, #tpu.memory_space<vmem>>
        %dma_start3A_50 = tpu.memref_squeeze %dma_start3A_49 : memref<1x128xi32, #tpu.memory_space<vmem>> -> memref<128xi32, #tpu.memory_space<vmem>>
        %dma_start3A_51 = arith.constant 0 : i32
        %dma_start3A_52 = arith.constant 0 : i32
        %dma_start3A_53 = tpu.memref_slice %arg9[%dma_start3A_51, %dma_start3A_52] : memref<10112x128xf32, #tpu.memory_space<vmem_shared>> -> memref<10112x128xf32, #tpu.memory_space<vmem_shared>>
        tpu.enqueue_indirect_dma source(%arg8 : memref<128x128xf32, #tpu.memory_space<vmem>>) target(%dma_start3A_53 : memref<10112x128xf32, #tpu.memory_space<vmem_shared>>) offsets(%dma_start3A_50 : memref<128xi32, #tpu.memory_space<vmem>>) semaphore(%run_scoped3A : memref<!tpu.dma_semaphore, #tpu.memory_space<semaphore_mem>>) {add = true}
        %dma_wait3A_54 = arith.constant 0 : i32
        %dma_wait3A_55 = tpu.memref_slice %arg7[%scan3A_37, %dma_wait3A_54] : memref<40x128xi32, #tpu.memory_space<vmem>> -> memref<1x128xi32, #tpu.memory_space<vmem>>
        %dma_wait3A_56 = tpu.memref_squeeze %dma_wait3A_55 : memref<1x128xi32, #tpu.memory_space<vmem>> -> memref<128xi32, #tpu.memory_space<vmem>>
        %dma_wait3A_57 = arith.constant 0 : i32
        %dma_wait3A_58 = arith.constant 0 : i32
        %dma_wait3A_59 = tpu.memref_slice %arg9[%dma_wait3A_57, %dma_wait3A_58] : memref<10112x128xf32, #tpu.memory_space<vmem_shared>> -> memref<10112x128xf32, #tpu.memory_space<vmem_shared>>
        tpu.wait_indirect_dma semaphore(%run_scoped3A : memref<!tpu.dma_semaphore, #tpu.memory_space<semaphore_mem>>) src(%arg8 : memref<128x128xf32, #tpu.memory_space<vmem>>) dst(%dma_wait3A_59 : memref<10112x128xf32, #tpu.memory_space<vmem_shared>>)
        tpu.yield
      }) : () -> ()
    }
    %scan3A_35 = arith.constant 40 : i32
    %barrier3A_36 = arith.constant 0 : index
    tpu.barrier barrier_id(%barrier3A_36)
    "tpu.region"() ({
      %run_scoped3A = tpu.sem_alloc : memref<!tpu.dma_semaphore, #tpu.memory_space<semaphore_mem>>
      %dma_start3A = arith.constant 0 : i32
      %dma_start3A_37 = tpu.memref_slice %arg5[%arg0, %mul3A_7, %dma_start3A] : memref<2x10112x128xf32, #tpu.memory_space<hbm>> -> memref<1x632x128xf32, #tpu.memory_space<hbm>>
      %dma_start3A_38 = tpu.memref_squeeze %dma_start3A_37 : memref<1x632x128xf32, #tpu.memory_space<hbm>> -> memref<632x128xf32, #tpu.memory_space<hbm>>
      %dma_start3A_39 = arith.constant 0 : i32
      %dma_start3A_40 = tpu.memref_slice %arg9[%mul3A_7, %dma_start3A_39] : memref<10112x128xf32, #tpu.memory_space<vmem_shared>> -> memref<632x128xf32, #tpu.memory_space<vmem_shared>>
      tpu.enqueue_dma source(%dma_start3A_40 : memref<632x128xf32, #tpu.memory_space<vmem_shared>>) target(%dma_start3A_38 : memref<632x128xf32, #tpu.memory_space<hbm>>) target_semaphore(%run_scoped3A : memref<!tpu.dma_semaphore, #tpu.memory_space<semaphore_mem>>)
      %dma_wait3A = arith.constant 0 : i32
      %dma_wait3A_41 = tpu.memref_slice %arg5[%arg0, %mul3A_7, %dma_wait3A] : memref<2x10112x128xf32, #tpu.memory_space<hbm>> -> memref<1x632x128xf32, #tpu.memory_space<hbm>>
      %dma_wait3A_42 = tpu.memref_squeeze %dma_wait3A_41 : memref<1x632x128xf32, #tpu.memory_space<hbm>> -> memref<632x128xf32, #tpu.memory_space<hbm>>
      %dma_wait3A_43 = arith.constant 0 : i32
      %dma_wait3A_44 = tpu.memref_slice %arg9[%mul3A_7, %dma_wait3A_43] : memref<10112x128xf32, #tpu.memory_space<vmem_shared>> -> memref<632x128xf32, #tpu.memory_space<vmem_shared>>
      tpu.wait_dma2 semaphore(%run_scoped3A : memref<!tpu.dma_semaphore, #tpu.memory_space<semaphore_mem>>) src(%dma_wait3A_44 : memref<632x128xf32, #tpu.memory_space<vmem_shared>>) dst(%dma_wait3A_42 : memref<632x128xf32, #tpu.memory_space<hbm>>)
      tpu.yield
    }) : () -> ()
    return
  }
}

#map = affine_map<(d0, d1) -> (0, 0)>
#map1 = affine_map<(d0, d1) -> (0, 0, 0)>
module attributes {stable_mosaic.version = 14 : i64} {
  func.func @k(%arg0: i32, %arg1: i32, %arg2: memref<2560x128xi32, #tpu.memory_space<hbm>>, %arg3: memref<2x10112x16xf32, #tpu.memory_space<hbm>>, %arg4: memref<80x128xi32, #tpu.memory_space<vmem>>, %arg5: memref<128x16xf32, #tpu.memory_space<vmem>>, %arg6: memref<10112x16xf32, #tpu.memory_space<vmem_shared>>) attributes {dimension_semantics = [#tpu.dimension_semantics<core_parallel>, #tpu.dimension_semantics<subcore_parallel>], iteration_bounds = array<i64: 2, 16>, scalar_prefetch = 0 : i64, scratch_operands = 3 : i64, tpu.core_type = #tpu.core_type<sc_vector_subcore>, window_params = [{transform_indices = #map}, {transform_indices = #map1}]} {
    %mul3A = arith.constant 16 : i32
    %mul3A_0 = arith.muli %arg0, %mul3A : i32
    %add3A = arith.addi %mul3A_0, %arg1 : i32
    %mul3A_1 = arith.constant 80 : i32
    %mul3A_2 = arith.muli %add3A, %mul3A_1 : i32
    "tpu.region"() ({
      %run_scoped3A = tpu.sem_alloc : memref<!tpu.dma_semaphore, #tpu.memory_space<semaphore_mem>>
      %dma_start3A = arith.constant 0 : i32
      %dma_start3A_33 = tpu.memref_slice %arg2[%mul3A_2, %dma_start3A] : memref<2560x128xi32, #tpu.memory_space<hbm>> -> memref<80x128xi32, #tpu.memory_space<hbm>>
      %dma_start3A_34 = arith.constant 0 : i32
      %dma_start3A_35 = tpu.memref_slice %arg2[%mul3A_2, %dma_start3A_34] : memref<2560x128xi32, #tpu.memory_space<hbm>> -> memref<80x128xi32, #tpu.memory_space<hbm>>
      tpu.enqueue_dma source(%dma_start3A_35 : memref<80x128xi32, #tpu.memory_space<hbm>>) target(%arg4 : memref<80x128xi32, #tpu.memory_space<vmem>>) target_semaphore(%run_scoped3A : memref<!tpu.dma_semaphore, #tpu.memory_space<semaphore_mem>>)
      %dma_wait3A = arith.constant 0 : i32
      %dma_wait3A_36 = tpu.memref_slice %arg2[%mul3A_2, %dma_wait3A] : memref<2560x128xi32, #tpu.memory_space<hbm>> -> memref<80x128xi32, #tpu.memory_space<hbm>>
      %dma_wait3A_37 = arith.constant 0 : i32
      %dma_wait3A_38 = tpu.memref_slice %arg2[%mul3A_2, %dma_wait3A_37] : memref<2560x128xi32, #tpu.memory_space<hbm>> -> memref<80x128xi32, #tpu.memory_space<hbm>>
      tpu.wait_dma2 semaphore(%run_scoped3A : memref<!tpu.dma_semaphore, #tpu.memory_space<semaphore_mem>>) src(%dma_wait3A_38 : memref<80x128xi32, #tpu.memory_space<hbm>>) dst(%arg4 : memref<80x128xi32, #tpu.memory_space<vmem>>)
      tpu.yield
    }) : () -> ()
    %broadcast_in_dim3A = arith.constant 0.000000e+00 : f32
    %broadcast_in_dim3A_3 = vector.broadcast %broadcast_in_dim3A : f32 to vector<16xf32>
    %scan3A = arith.constant 0 : i32
    %scan3A_4 = arith.constant 128 : i32
    %scan3A_5 = arith.addi %scan3A, %scan3A_4 : i32
    %scan3A_6 = arith.constant 1 : i32
    scf.for %scan3A_33 = %scan3A to %scan3A_5 step %scan3A_6  : i32 {
      %swap3A = arith.index_cast %scan3A_33 : i32 to index
      %swap3A_34 = arith.constant 0 : index
      %swap3A_35 = tpu.vector_load %arg5[%swap3A, %swap3A_34] {strides = array<i32>} : memref<128x16xf32, #tpu.memory_space<vmem>>, vector<1x16xf32>,
      %swap3A_36 = vector.shape_cast %swap3A_35 : vector<1x16xf32> to vector<16xf32>
      %swap3A_37 = vector.shape_cast %broadcast_in_dim3A_3 : vector<16xf32> to vector<1x16xf32>
      tpu.vector_store %arg5[%swap3A, %swap3A_34], %swap3A_37 {strides = array<i32>} : memref<128x16xf32, #tpu.memory_space<vmem>>, vector<1x16xf32>,
    }
    %scan3A_7 = arith.constant 128 : i32
    %mul3A_8 = arith.constant 632 : i32
    %mul3A_9 = arith.muli %arg1, %mul3A_8 : i32
    %add3A_10 = arith.constant 0 : i32
    %add3A_11 = arith.addi %mul3A_9, %add3A_10 : i32
    "tpu.region"() ({
      %run_scoped3A = tpu.sem_alloc : memref<!tpu.dma_semaphore, #tpu.memory_space<semaphore_mem>>
      %dma_start3A = arith.constant 0 : i32
      %dma_start3A_33 = arith.constant 0 : i32
      %dma_start3A_34 = tpu.memref_slice %arg5[%dma_start3A, %dma_start3A_33] : memref<128x16xf32, #tpu.memory_space<vmem>> -> memref<128x16xf32, #tpu.memory_space<vmem>>
      %dma_start3A_35 = arith.constant 0 : i32
      %dma_start3A_36 = tpu.memref_slice %arg6[%add3A_11, %dma_start3A_35] : memref<10112x16xf32, #tpu.memory_space<vmem_shared>> -> memref<128x16xf32, #tpu.memory_space<vmem_shared>>
      %dma_start3A_37 = arith.constant 0 : i32
      %dma_start3A_38 = tpu.memref_slice %arg6[%add3A_11, %dma_start3A_37] : memref<10112x16xf32, #tpu.memory_space<vmem_shared>> -> memref<128x16xf32, #tpu.memory_space<vmem_shared>>
      %dma_start3A_39 = arith.constant 0 : i32
      %dma_start3A_40 = arith.constant 0 : i32
      %dma_start3A_41 = tpu.memref_slice %arg5[%dma_start3A_39, %dma_start3A_40] : memref<128x16xf32, #tpu.memory_space<vmem>> -> memref<128x16xf32, #tpu.memory_space<vmem>>
      tpu.enqueue_dma source(%dma_start3A_41 : memref<128x16xf32, #tpu.memory_space<vmem>>) target(%dma_start3A_38 : memref<128x16xf32, #tpu.memory_space<vmem_shared>>) target_semaphore(%run_scoped3A : memref<!tpu.dma_semaphore, #tpu.memory_space<semaphore_mem>>)
      %dma_wait3A = arith.constant 0 : i32
      %dma_wait3A_42 = arith.constant 0 : i32
      %dma_wait3A_43 = tpu.memref_slice %arg5[%dma_wait3A, %dma_wait3A_42] : memref<128x16xf32, #tpu.memory_space<vmem>> -> memref<128x16xf32, #tpu.memory_space<vmem>>
      %dma_wait3A_44 = arith.constant 0 : i32
      %dma_wait3A_45 = tpu.memref_slice %arg6[%add3A_11, %dma_wait3A_44] : memref<10112x16xf32, #tpu.memory_space<vmem_shared>> -> memref<128x16xf32, #tpu.memory_space<vmem_shared>>
      %dma_wait3A_46 = arith.constant 0 : i32
      %dma_wait3A_47 = tpu.memref_slice %arg6[%add3A_11, %dma_wait3A_46] : memref<10112x16xf32, #tpu.memory_space<vmem_shared>> -> memref<128x16xf32, #tpu.memory_space<vmem_shared>>
      %dma_wait3A_48 = arith.constant 0 : i32
      %dma_wait3A_49 = arith.constant 0 : i32
      %dma_wait3A_50 = tpu.memref_slice %arg5[%dma_wait3A_48, %dma_wait3A_49] : memref<128x16xf32, #tpu.memory_space<vmem>> -> memref<128x16xf32, #tpu.memory_space<vmem>>
      tpu.wait_dma2 semaphore(%run_scoped3A : memref<!tpu.dma_semaphore, #tpu.memory_space<semaphore_mem>>) src(%dma_wait3A_50 : memref<128x16xf32, #tpu.memory_space<vmem>>) dst(%dma_wait3A_47 : memref<128x16xf32, #tpu.memory_space<vmem_shared>>)
      tpu.yield
    }) : () -> ()
    %add3A_12 = arith.constant 128 : i32
    %add3A_13 = arith.addi %mul3A_9, %add3A_12 : i32
    "tpu.region"() ({
      %run_scoped3A = tpu.sem_alloc : memref<!tpu.dma_semaphore, #tpu.memory_space<semaphore_mem>>
      %dma_start3A = arith.constant 0 : i32
      %dma_start3A_33 = arith.constant 0 : i32
      %dma_start3A_34 = tpu.memref_slice %arg5[%dma_start3A, %dma_start3A_33] : memref<128x16xf32, #tpu.memory_space<vmem>> -> memref<128x16xf32, #tpu.memory_space<vmem>>
      %dma_start3A_35 = arith.constant 0 : i32
      %dma_start3A_36 = tpu.memref_slice %arg6[%add3A_13, %dma_start3A_35] : memref<10112x16xf32, #tpu.memory_space<vmem_shared>> -> memref<128x16xf32, #tpu.memory_space<vmem_shared>>
      %dma_start3A_37 = arith.constant 0 : i32
      %dma_start3A_38 = tpu.memref_slice %arg6[%add3A_13, %dma_start3A_37] : memref<10112x16xf32, #tpu.memory_space<vmem_shared>> -> memref<128x16xf32, #tpu.memory_space<vmem_shared>>
      %dma_start3A_39 = arith.constant 0 : i32
      %dma_start3A_40 = arith.constant 0 : i32
      %dma_start3A_41 = tpu.memref_slice %arg5[%dma_start3A_39, %dma_start3A_40] : memref<128x16xf32, #tpu.memory_space<vmem>> -> memref<128x16xf32, #tpu.memory_space<vmem>>
      tpu.enqueue_dma source(%dma_start3A_41 : memref<128x16xf32, #tpu.memory_space<vmem>>) target(%dma_start3A_38 : memref<128x16xf32, #tpu.memory_space<vmem_shared>>) target_semaphore(%run_scoped3A : memref<!tpu.dma_semaphore, #tpu.memory_space<semaphore_mem>>)
      %dma_wait3A = arith.constant 0 : i32
      %dma_wait3A_42 = arith.constant 0 : i32
      %dma_wait3A_43 = tpu.memref_slice %arg5[%dma_wait3A, %dma_wait3A_42] : memref<128x16xf32, #tpu.memory_space<vmem>> -> memref<128x16xf32, #tpu.memory_space<vmem>>
      %dma_wait3A_44 = arith.constant 0 : i32
      %dma_wait3A_45 = tpu.memref_slice %arg6[%add3A_13, %dma_wait3A_44] : memref<10112x16xf32, #tpu.memory_space<vmem_shared>> -> memref<128x16xf32, #tpu.memory_space<vmem_shared>>
      %dma_wait3A_46 = arith.constant 0 : i32
      %dma_wait3A_47 = tpu.memref_slice %arg6[%add3A_13, %dma_wait3A_46] : memref<10112x16xf32, #tpu.memory_space<vmem_shared>> -> memref<128x16xf32, #tpu.memory_space<vmem_shared>>
      %dma_wait3A_48 = arith.constant 0 : i32
      %dma_wait3A_49 = arith.constant 0 : i32
      %dma_wait3A_50 = tpu.memref_slice %arg5[%dma_wait3A_48, %dma_wait3A_49] : memref<128x16xf32, #tpu.memory_space<vmem>> -> memref<128x16xf32, #tpu.memory_space<vmem>>
      tpu.wait_dma2 semaphore(%run_scoped3A : memref<!tpu.dma_semaphore, #tpu.memory_space<semaphore_mem>>) src(%dma_wait3A_50 : memref<128x16xf32, #tpu.memory_space<vmem>>) dst(%dma_wait3A_47 : memref<128x16xf32, #tpu.memory_space<vmem_shared>>)
      tpu.yield
    }) : () -> ()
    %add3A_14 = arith.constant 256 : i32
    %add3A_15 = arith.addi %mul3A_9, %add3A_14 : i32
    "tpu.region"() ({
      %run_scoped3A = tpu.sem_alloc : memref<!tpu.dma_semaphore, #tpu.memory_space<semaphore_mem>>
      %dma_start3A = arith.constant 0 : i32
      %dma_start3A_33 = arith.constant 0 : i32
      %dma_start3A_34 = tpu.memref_slice %arg5[%dma_start3A, %dma_start3A_33] : memref<128x16xf32, #tpu.memory_space<vmem>> -> memref<128x16xf32, #tpu.memory_space<vmem>>
      %dma_start3A_35 = arith.constant 0 : i32
      %dma_start3A_36 = tpu.memref_slice %arg6[%add3A_15, %dma_start3A_35] : memref<10112x16xf32, #tpu.memory_space<vmem_shared>> -> memref<128x16xf32, #tpu.memory_space<vmem_shared>>
      %dma_start3A_37 = arith.constant 0 : i32
      %dma_start3A_38 = tpu.memref_slice %arg6[%add3A_15, %dma_start3A_37] : memref<10112x16xf32, #tpu.memory_space<vmem_shared>> -> memref<128x16xf32, #tpu.memory_space<vmem_shared>>
      %dma_start3A_39 = arith.constant 0 : i32
      %dma_start3A_40 = arith.constant 0 : i32
      %dma_start3A_41 = tpu.memref_slice %arg5[%dma_start3A_39, %dma_start3A_40] : memref<128x16xf32, #tpu.memory_space<vmem>> -> memref<128x16xf32, #tpu.memory_space<vmem>>
      tpu.enqueue_dma source(%dma_start3A_41 : memref<128x16xf32, #tpu.memory_space<vmem>>) target(%dma_start3A_38 : memref<128x16xf32, #tpu.memory_space<vmem_shared>>) target_semaphore(%run_scoped3A : memref<!tpu.dma_semaphore, #tpu.memory_space<semaphore_mem>>)
      %dma_wait3A = arith.constant 0 : i32
      %dma_wait3A_42 = arith.constant 0 : i32
      %dma_wait3A_43 = tpu.memref_slice %arg5[%dma_wait3A, %dma_wait3A_42] : memref<128x16xf32, #tpu.memory_space<vmem>> -> memref<128x16xf32, #tpu.memory_space<vmem>>
      %dma_wait3A_44 = arith.constant 0 : i32
      %dma_wait3A_45 = tpu.memref_slice %arg6[%add3A_15, %dma_wait3A_44] : memref<10112x16xf32, #tpu.memory_space<vmem_shared>> -> memref<128x16xf32, #tpu.memory_space<vmem_shared>>
      %dma_wait3A_46 = arith.constant 0 : i32
      %dma_wait3A_47 = tpu.memref_slice %arg6[%add3A_15, %dma_wait3A_46] : memref<10112x16xf32, #tpu.memory_space<vmem_shared>> -> memref<128x16xf32, #tpu.memory_space<vmem_shared>>
      %dma_wait3A_48 = arith.constant 0 : i32
      %dma_wait3A_49 = arith.constant 0 : i32
      %dma_wait3A_50 = tpu.memref_slice %arg5[%dma_wait3A_48, %dma_wait3A_49] : memref<128x16xf32, #tpu.memory_space<vmem>> -> memref<128x16xf32, #tpu.memory_space<vmem>>
      tpu.wait_dma2 semaphore(%run_scoped3A : memref<!tpu.dma_semaphore, #tpu.memory_space<semaphore_mem>>) src(%dma_wait3A_50 : memref<128x16xf32, #tpu.memory_space<vmem>>) dst(%dma_wait3A_47 : memref<128x16xf32, #tpu.memory_space<vmem_shared>>)
      tpu.yield
    }) : () -> ()
    %add3A_16 = arith.constant 384 : i32
    %add3A_17 = arith.addi %mul3A_9, %add3A_16 : i32
    "tpu.region"() ({
      %run_scoped3A = tpu.sem_alloc : memref<!tpu.dma_semaphore, #tpu.memory_space<semaphore_mem>>
      %dma_start3A = arith.constant 0 : i32
      %dma_start3A_33 = arith.constant 0 : i32
      %dma_start3A_34 = tpu.memref_slice %arg5[%dma_start3A, %dma_start3A_33] : memref<128x16xf32, #tpu.memory_space<vmem>> -> memref<128x16xf32, #tpu.memory_space<vmem>>
      %dma_start3A_35 = arith.constant 0 : i32
      %dma_start3A_36 = tpu.memref_slice %arg6[%add3A_17, %dma_start3A_35] : memref<10112x16xf32, #tpu.memory_space<vmem_shared>> -> memref<128x16xf32, #tpu.memory_space<vmem_shared>>
      %dma_start3A_37 = arith.constant 0 : i32
      %dma_start3A_38 = tpu.memref_slice %arg6[%add3A_17, %dma_start3A_37] : memref<10112x16xf32, #tpu.memory_space<vmem_shared>> -> memref<128x16xf32, #tpu.memory_space<vmem_shared>>
      %dma_start3A_39 = arith.constant 0 : i32
      %dma_start3A_40 = arith.constant 0 : i32
      %dma_start3A_41 = tpu.memref_slice %arg5[%dma_start3A_39, %dma_start3A_40] : memref<128x16xf32, #tpu.memory_space<vmem>> -> memref<128x16xf32, #tpu.memory_space<vmem>>
      tpu.enqueue_dma source(%dma_start3A_41 : memref<128x16xf32, #tpu.memory_space<vmem>>) target(%dma_start3A_38 : memref<128x16xf32, #tpu.memory_space<vmem_shared>>) target_semaphore(%run_scoped3A : memref<!tpu.dma_semaphore, #tpu.memory_space<semaphore_mem>>)
      %dma_wait3A = arith.constant 0 : i32
      %dma_wait3A_42 = arith.constant 0 : i32
      %dma_wait3A_43 = tpu.memref_slice %arg5[%dma_wait3A, %dma_wait3A_42] : memref<128x16xf32, #tpu.memory_space<vmem>> -> memref<128x16xf32, #tpu.memory_space<vmem>>
      %dma_wait3A_44 = arith.constant 0 : i32
      %dma_wait3A_45 = tpu.memref_slice %arg6[%add3A_17, %dma_wait3A_44] : memref<10112x16xf32, #tpu.memory_space<vmem_shared>> -> memref<128x16xf32, #tpu.memory_space<vmem_shared>>
      %dma_wait3A_46 = arith.constant 0 : i32
      %dma_wait3A_47 = tpu.memref_slice %arg6[%add3A_17, %dma_wait3A_46] : memref<10112x16xf32, #tpu.memory_space<vmem_shared>> -> memref<128x16xf32, #tpu.memory_space<vmem_shared>>
      %dma_wait3A_48 = arith.constant 0 : i32
      %dma_wait3A_49 = arith.constant 0 : i32
      %dma_wait3A_50 = tpu.memref_slice %arg5[%dma_wait3A_48, %dma_wait3A_49] : memref<128x16xf32, #tpu.memory_space<vmem>> -> memref<128x16xf32, #tpu.memory_space<vmem>>
      tpu.wait_dma2 semaphore(%run_scoped3A : memref<!tpu.dma_semaphore, #tpu.memory_space<semaphore_mem>>) src(%dma_wait3A_50 : memref<128x16xf32, #tpu.memory_space<vmem>>) dst(%dma_wait3A_47 : memref<128x16xf32, #tpu.memory_space<vmem_shared>>)
      tpu.yield
    }) : () -> ()
    %add3A_18 = arith.constant 512 : i32
    %add3A_19 = arith.addi %mul3A_9, %add3A_18 : i32
    "tpu.region"() ({
      %run_scoped3A = tpu.sem_alloc : memref<!tpu.dma_semaphore, #tpu.memory_space<semaphore_mem>>
      %dma_start3A = arith.constant 0 : i32
      %dma_start3A_33 = arith.constant 0 : i32
      %dma_start3A_34 = tpu.memref_slice %arg5[%dma_start3A, %dma_start3A_33] : memref<128x16xf32, #tpu.memory_space<vmem>> -> memref<120x16xf32, #tpu.memory_space<vmem>>
      %dma_start3A_35 = arith.constant 0 : i32
      %dma_start3A_36 = tpu.memref_slice %arg6[%add3A_19, %dma_start3A_35] : memref<10112x16xf32, #tpu.memory_space<vmem_shared>> -> memref<120x16xf32, #tpu.memory_space<vmem_shared>>
      %dma_start3A_37 = arith.constant 0 : i32
      %dma_start3A_38 = tpu.memref_slice %arg6[%add3A_19, %dma_start3A_37] : memref<10112x16xf32, #tpu.memory_space<vmem_shared>> -> memref<120x16xf32, #tpu.memory_space<vmem_shared>>
      %dma_start3A_39 = arith.constant 0 : i32
      %dma_start3A_40 = arith.constant 0 : i32
      %dma_start3A_41 = tpu.memref_slice %arg5[%dma_start3A_39, %dma_start3A_40] : memref<128x16xf32, #tpu.memory_space<vmem>> -> memref<120x16xf32, #tpu.memory_space<vmem>>
      tpu.enqueue_dma source(%dma_start3A_41 : memref<120x16xf32, #tpu.memory_space<vmem>>) target(%dma_start3A_38 : memref<120x16xf32, #tpu.memory_space<vmem_shared>>) target_semaphore(%run_scoped3A : memref<!tpu.dma_semaphore, #tpu.memory_space<semaphore_mem>>)
      %dma_wait3A = arith.constant 0 : i32
      %dma_wait3A_42 = arith.constant 0 : i32
      %dma_wait3A_43 = tpu.memref_slice %arg5[%dma_wait3A, %dma_wait3A_42] : memref<128x16xf32, #tpu.memory_space<vmem>> -> memref<120x16xf32, #tpu.memory_space<vmem>>
      %dma_wait3A_44 = arith.constant 0 : i32
      %dma_wait3A_45 = tpu.memref_slice %arg6[%add3A_19, %dma_wait3A_44] : memref<10112x16xf32, #tpu.memory_space<vmem_shared>> -> memref<120x16xf32, #tpu.memory_space<vmem_shared>>
      %dma_wait3A_46 = arith.constant 0 : i32
      %dma_wait3A_47 = tpu.memref_slice %arg6[%add3A_19, %dma_wait3A_46] : memref<10112x16xf32, #tpu.memory_space<vmem_shared>> -> memref<120x16xf32, #tpu.memory_space<vmem_shared>>
      %dma_wait3A_48 = arith.constant 0 : i32
      %dma_wait3A_49 = arith.constant 0 : i32
      %dma_wait3A_50 = tpu.memref_slice %arg5[%dma_wait3A_48, %dma_wait3A_49] : memref<128x16xf32, #tpu.memory_space<vmem>> -> memref<120x16xf32, #tpu.memory_space<vmem>>
      tpu.wait_dma2 semaphore(%run_scoped3A : memref<!tpu.dma_semaphore, #tpu.memory_space<semaphore_mem>>) src(%dma_wait3A_50 : memref<120x16xf32, #tpu.memory_space<vmem>>) dst(%dma_wait3A_47 : memref<120x16xf32, #tpu.memory_space<vmem_shared>>)
      tpu.yield
    }) : () -> ()
    %broadcast_in_dim3A_20 = arith.constant 1.000000e+00 : f32
    %broadcast_in_dim3A_21 = vector.broadcast %broadcast_in_dim3A_20 : f32 to vector<16xf32>
    %scan3A_22 = arith.constant 0 : i32
    %scan3A_23 = arith.constant 128 : i32
    %scan3A_24 = arith.addi %scan3A_22, %scan3A_23 : i32
    %scan3A_25 = arith.constant 1 : i32
    scf.for %scan3A_33 = %scan3A_22 to %scan3A_24 step %scan3A_25  : i32 {
      %swap3A = arith.index_cast %scan3A_33 : i32 to index
      %swap3A_34 = arith.constant 0 : index
      %swap3A_35 = tpu.vector_load %arg5[%swap3A, %swap3A_34] {strides = array<i32>} : memref<128x16xf32, #tpu.memory_space<vmem>>, vector<1x16xf32>,
      %swap3A_36 = vector.shape_cast %swap3A_35 : vector<1x16xf32> to vector<16xf32>
      %swap3A_37 = vector.shape_cast %broadcast_in_dim3A_21 : vector<16xf32> to vector<1x16xf32>
      tpu.vector_store %arg5[%swap3A, %swap3A_34], %swap3A_37 {strides = array<i32>} : memref<128x16xf32, #tpu.memory_space<vmem>>, vector<1x16xf32>,
    }
    %scan3A_26 = arith.constant 128 : i32
    %barrier3A = arith.constant 0 : index
    tpu.barrier barrier_id(%barrier3A)
    %scan3A_27 = arith.constant 0 : i32
    %scan3A_28 = arith.constant 80 : i32
    %scan3A_29 = arith.addi %scan3A_27, %scan3A_28 : i32
    %scan3A_30 = arith.constant 1 : i32
    scf.for %scan3A_33 = %scan3A_27 to %scan3A_29 step %scan3A_30  : i32 {
      "tpu.region"() ({
        %run_scoped3A = tpu.sem_alloc : memref<!tpu.dma_semaphore, #tpu.memory_space<semaphore_mem>>
        %dma_start3A = arith.constant 0 : i32
        %dma_start3A_34 = tpu.memref_slice %arg4[%scan3A_33, %dma_start3A] : memref<80x128xi32, #tpu.memory_space<vmem>> -> memref<1x128xi32, #tpu.memory_space<vmem>>
        %dma_start3A_35 = tpu.memref_squeeze %dma_start3A_34 : memref<1x128xi32, #tpu.memory_space<vmem>> -> memref<128xi32, #tpu.memory_space<vmem>>
        %dma_start3A_36 = arith.constant 0 : i32
        %dma_start3A_37 = arith.constant 0 : i32
        %dma_start3A_38 = tpu.memref_slice %arg6[%dma_start3A_36, %dma_start3A_37] : memref<10112x16xf32, #tpu.memory_space<vmem_shared>> -> memref<10112x16xf32, #tpu.memory_space<vmem_shared>>
        tpu.enqueue_indirect_dma source(%arg5 : memref<128x16xf32, #tpu.memory_space<vmem>>) target(%dma_start3A_38 : memref<10112x16xf32, #tpu.memory_space<vmem_shared>>) offsets(%dma_start3A_35 : memref<128xi32, #tpu.memory_space<vmem>>) semaphore(%run_scoped3A : memref<!tpu.dma_semaphore, #tpu.memory_space<semaphore_mem>>) {add = true}
        %dma_wait3A = arith.constant 0 : i32
        %dma_wait3A_39 = tpu.memref_slice %arg4[%scan3A_33, %dma_wait3A] : memref<80x128xi32, #tpu.memory_space<vmem>> -> memref<1x128xi32, #tpu.memory_space<vmem>>
        %dma_wait3A_40 = tpu.memref_squeeze %dma_wait3A_39 : memref<1x128xi32, #tpu.memory_space<vmem>> -> memref<128xi32, #tpu.memory_space<vmem>>
        %dma_wait3A_41 = arith.constant 0 : i32
        %dma_wait3A_42 = arith.constant 0 : i32
        %dma_wait3A_43 = tpu.memref_slice %arg6[%dma_wait3A_41, %dma_wait3A_42] : memref<10112x16xf32, #tpu.memory_space<vmem_shared>> -> memref<10112x16xf32, #tpu.memory_space<vmem_shared>>
        tpu.wait_indirect_dma semaphore(%run_scoped3A : memref<!tpu.dma_semaphore, #tpu.memory_space<semaphore_mem>>) src(%arg5 : memref<128x16xf32, #tpu.memory_space<vmem>>) dst(%dma_wait3A_43 : memref<10112x16xf32, #tpu.memory_space<vmem_shared>>)
        tpu.yield
      }) : () -> ()
    }
    %scan3A_31 = arith.constant 80 : i32
    %barrier3A_32 = arith.constant 0 : index
    tpu.barrier barrier_id(%barrier3A_32)
    "tpu.region"() ({
      %run_scoped3A = tpu.sem_alloc : memref<!tpu.dma_semaphore, #tpu.memory_space<semaphore_mem>>
      %dma_start3A = arith.constant 0 : i32
      %dma_start3A_33 = tpu.memref_slice %arg3[%arg0, %mul3A_9, %dma_start3A] : memref<2x10112x16xf32, #tpu.memory_space<hbm>> -> memref<1x632x16xf32, #tpu.memory_space<hbm>>
      %dma_start3A_34 = tpu.memref_squeeze %dma_start3A_33 : memref<1x632x16xf32, #tpu.memory_space<hbm>> -> memref<632x16xf32, #tpu.memory_space<hbm>>
      %dma_start3A_35 = arith.constant 0 : i32
      %dma_start3A_36 = tpu.memref_slice %arg6[%mul3A_9, %dma_start3A_35] : memref<10112x16xf32, #tpu.memory_space<vmem_shared>> -> memref<632x16xf32, #tpu.memory_space<vmem_shared>>
      tpu.enqueue_dma source(%dma_start3A_36 : memref<632x16xf32, #tpu.memory_space<vmem_shared>>) target(%dma_start3A_34 : memref<632x16xf32, #tpu.memory_space<hbm>>) target_semaphore(%run_scoped3A : memref<!tpu.dma_semaphore, #tpu.memory_space<semaphore_mem>>)
      %dma_wait3A = arith.constant 0 : i32
      %dma_wait3A_37 = tpu.memref_slice %arg3[%arg0, %mul3A_9, %dma_wait3A] : memref<2x10112x16xf32, #tpu.memory_space<hbm>> -> memref<1x632x16xf32, #tpu.memory_space<hbm>>
      %dma_wait3A_38 = tpu.memref_squeeze %dma_wait3A_37 : memref<1x632x16xf32, #tpu.memory_space<hbm>> -> memref<632x16xf32, #tpu.memory_space<hbm>>
      %dma_wait3A_39 = arith.constant 0 : i32
      %dma_wait3A_40 = tpu.memref_slice %arg6[%mul3A_9, %dma_wait3A_39] : memref<10112x16xf32, #tpu.memory_space<vmem_shared>> -> memref<632x16xf32, #tpu.memory_space<vmem_shared>>
      tpu.wait_dma2 semaphore(%run_scoped3A : memref<!tpu.dma_semaphore, #tpu.memory_space<semaphore_mem>>) src(%dma_wait3A_40 : memref<632x16xf32, #tpu.memory_space<vmem_shared>>) dst(%dma_wait3A_38 : memref<632x16xf32, #tpu.memory_space<hbm>>)
      tpu.yield
    }) : () -> ()
    return
  }
}

#map = affine_map<(d0, d1) -> (0, 0)>
#map1 = affine_map<(d0, d1) -> (0, 0, 0)>
module attributes {stable_mosaic.version = 14 : i64} {
  func.func @k(%arg0: i32, %arg1: i32, %arg2: memref<2560x128xi32, #tpu.memory_space<hbm>>, %arg3: memref<2560x128xi32, #tpu.memory_space<hbm>>, %arg4: memref<10000x16xf32, #tpu.memory_space<hbm>>, %arg5: memref<2x10112x16xf32, #tpu.memory_space<hbm>>, %arg6: memref<40x128xi32, #tpu.memory_space<vmem>>, %arg7: memref<40x128xi32, #tpu.memory_space<vmem>>, %arg8: memref<128x16xf32, #tpu.memory_space<vmem>>, %arg9: memref<10000x16xf32, #tpu.memory_space<vmem_shared>>, %arg10: memref<10112x16xf32, #tpu.memory_space<vmem_shared>>, %arg11: memref<!tpu.dma_semaphore, #tpu.memory_space<semaphore_mem>>) attributes {dimension_semantics = [#tpu.dimension_semantics<core_parallel>, #tpu.dimension_semantics<subcore_parallel>], iteration_bounds = array<i64: 2, 16>, scalar_prefetch = 0 : i64, scratch_operands = 6 : i64, tpu.core_type = #tpu.core_type<sc_vector_subcore>, window_params = [{transform_indices = #map}, {transform_indices = #map}, {transform_indices = #map}, {transform_indices = #map1}]} {
    %mul3A = arith.constant 16 : i32
    %mul3A_0 = arith.muli %arg0, %mul3A : i32
    %add3A = arith.addi %mul3A_0, %arg1 : i32
    %mul3A_1 = arith.constant 632 : i32
    %mul3A_2 = arith.muli %arg1, %mul3A_1 : i32
    %lt3A = arith.constant 15 : i32
    %lt3A_3 = arith.cmpi slt, %arg1, %lt3A : i32
    %convert_element_type3A = arith.extui %lt3A_3 : i1 to i32
    %cond3A = arith.constant 0 : i32
    %cond3A_4 = arith.cmpi ne, %convert_element_type3A, %cond3A : i32
    scf.if %cond3A_4 {
      "tpu.region"() ({
        %run_scoped3A = tpu.sem_alloc : memref<!tpu.dma_semaphore, #tpu.memory_space<semaphore_mem>>
        %dma_start3A = arith.constant 0 : i32
        %dma_start3A_45 = tpu.memref_slice %arg9[%mul3A_2, %dma_start3A] : memref<10000x16xf32, #tpu.memory_space<vmem_shared>> -> memref<632x16xf32, #tpu.memory_space<vmem_shared>>
        %dma_start3A_46 = arith.constant 0 : i32
        %dma_start3A_47 = tpu.memref_slice %arg4[%mul3A_2, %dma_start3A_46] : memref<10000x16xf32, #tpu.memory_space<hbm>> -> memref<632x16xf32, #tpu.memory_space<hbm>>
        tpu.enqueue_dma source(%dma_start3A_47 : memref<632x16xf32, #tpu.memory_space<hbm>>) target(%dma_start3A_45 : memref<632x16xf32, #tpu.memory_space<vmem_shared>>) target_semaphore(%run_scoped3A : memref<!tpu.dma_semaphore, #tpu.memory_space<semaphore_mem>>)
        %dma_wait3A = arith.constant 0 : i32
        %dma_wait3A_48 = tpu.memref_slice %arg9[%mul3A_2, %dma_wait3A] : memref<10000x16xf32, #tpu.memory_space<vmem_shared>> -> memref<632x16xf32, #tpu.memory_space<vmem_shared>>
        %dma_wait3A_49 = arith.constant 0 : i32
        %dma_wait3A_50 = tpu.memref_slice %arg4[%mul3A_2, %dma_wait3A_49] : memref<10000x16xf32, #tpu.memory_space<hbm>> -> memref<632x16xf32, #tpu.memory_space<hbm>>
        tpu.wait_dma2 semaphore(%run_scoped3A : memref<!tpu.dma_semaphore, #tpu.memory_space<semaphore_mem>>) src(%dma_wait3A_50 : memref<632x16xf32, #tpu.memory_space<hbm>>) dst(%dma_wait3A_48 : memref<632x16xf32, #tpu.memory_space<vmem_shared>>)
        tpu.yield
      }) : () -> ()
    } else {
    }
    %eq3A = arith.constant 15 : i32
    %eq3A_5 = arith.cmpi eq, %arg1, %eq3A : i32
    %convert_element_type3A_6 = arith.extui %eq3A_5 : i1 to i32
    %cond3A_7 = arith.constant 0 : i32
    %cond3A_8 = arith.cmpi ne, %convert_element_type3A_6, %cond3A_7 : i32
    scf.if %cond3A_8 {
      "tpu.region"() ({
        %run_scoped3A = tpu.sem_alloc : memref<!tpu.dma_semaphore, #tpu.memory_space<semaphore_mem>>
        %dma_start3A = arith.constant 9480 : i32
        %dma_start3A_45 = arith.constant 0 : i32
        %dma_start3A_46 = tpu.memref_slice %arg9[%dma_start3A, %dma_start3A_45] : memref<10000x16xf32, #tpu.memory_space<vmem_shared>> -> memref<520x16xf32, #tpu.memory_space<vmem_shared>>
        %dma_start3A_47 = arith.constant 9480 : i32
        %dma_start3A_48 = arith.constant 0 : i32
        %dma_start3A_49 = tpu.memref_slice %arg4[%dma_start3A_47, %dma_start3A_48] : memref<10000x16xf32, #tpu.memory_space<hbm>> -> memref<520x16xf32, #tpu.memory_space<hbm>>
        tpu.enqueue_dma source(%dma_start3A_49 : memref<520x16xf32, #tpu.memory_space<hbm>>) target(%dma_start3A_46 : memref<520x16xf32, #tpu.memory_space<vmem_shared>>) target_semaphore(%run_scoped3A : memref<!tpu.dma_semaphore, #tpu.memory_space<semaphore_mem>>)
        %dma_wait3A = arith.constant 9480 : i32
        %dma_wait3A_50 = arith.constant 0 : i32
        %dma_wait3A_51 = tpu.memref_slice %arg9[%dma_wait3A, %dma_wait3A_50] : memref<10000x16xf32, #tpu.memory_space<vmem_shared>> -> memref<520x16xf32, #tpu.memory_space<vmem_shared>>
        %dma_wait3A_52 = arith.constant 9480 : i32
        %dma_wait3A_53 = arith.constant 0 : i32
        %dma_wait3A_54 = tpu.memref_slice %arg4[%dma_wait3A_52, %dma_wait3A_53] : memref<10000x16xf32, #tpu.memory_space<hbm>> -> memref<520x16xf32, #tpu.memory_space<hbm>>
        tpu.wait_dma2 semaphore(%run_scoped3A : memref<!tpu.dma_semaphore, #tpu.memory_space<semaphore_mem>>) src(%dma_wait3A_54 : memref<520x16xf32, #tpu.memory_space<hbm>>) dst(%dma_wait3A_51 : memref<520x16xf32, #tpu.memory_space<vmem_shared>>)
        tpu.yield
      }) : () -> ()
    } else {
    }
    %broadcast_in_dim3A = arith.constant 0.000000e+00 : f32
    %broadcast_in_dim3A_9 = vector.broadcast %broadcast_in_dim3A : f32 to vector<16xf32>
    %scan3A = arith.constant 0 : i32
    %scan3A_10 = arith.constant 128 : i32
    %scan3A_11 = arith.addi %scan3A, %scan3A_10 : i32
    %scan3A_12 = arith.constant 1 : i32
    scf.for %scan3A_45 = %scan3A to %scan3A_11 step %scan3A_12  : i32 {
      %swap3A = arith.index_cast %scan3A_45 : i32 to index
      %swap3A_46 = arith.constant 0 : index
      %swap3A_47 = tpu.vector_load %arg8[%swap3A, %swap3A_46] {strides = array<i32>} : memref<128x16xf32, #tpu.memory_space<vmem>>, vector<1x16xf32>,
      %swap3A_48 = vector.shape_cast %swap3A_47 : vector<1x16xf32> to vector<16xf32>
      %swap3A_49 = vector.shape_cast %broadcast_in_dim3A_9 : vector<16xf32> to vector<1x16xf32>
      tpu.vector_store %arg8[%swap3A, %swap3A_46], %swap3A_49 {strides = array<i32>} : memref<128x16xf32, #tpu.memory_space<vmem>>, vector<1x16xf32>,
    }
    %scan3A_13 = arith.constant 128 : i32
    %mul3A_14 = arith.constant 632 : i32
    %mul3A_15 = arith.muli %arg1, %mul3A_14 : i32
    %add3A_16 = arith.constant 0 : i32
    %add3A_17 = arith.addi %mul3A_15, %add3A_16 : i32
    "tpu.region"() ({
      %run_scoped3A = tpu.sem_alloc : memref<!tpu.dma_semaphore, #tpu.memory_space<semaphore_mem>>
      %dma_start3A = arith.constant 0 : i32
      %dma_start3A_45 = arith.constant 0 : i32
      %dma_start3A_46 = tpu.memref_slice %arg8[%dma_start3A, %dma_start3A_45] : memref<128x16xf32, #tpu.memory_space<vmem>> -> memref<128x16xf32, #tpu.memory_space<vmem>>
      %dma_start3A_47 = arith.constant 0 : i32
      %dma_start3A_48 = tpu.memref_slice %arg10[%add3A_17, %dma_start3A_47] : memref<10112x16xf32, #tpu.memory_space<vmem_shared>> -> memref<128x16xf32, #tpu.memory_space<vmem_shared>>
      %dma_start3A_49 = arith.constant 0 : i32
      %dma_start3A_50 = tpu.memref_slice %arg10[%add3A_17, %dma_start3A_49] : memref<10112x16xf32, #tpu.memory_space<vmem_shared>> -> memref<128x16xf32, #tpu.memory_space<vmem_shared>>
      %dma_start3A_51 = arith.constant 0 : i32
      %dma_start3A_52 = arith.constant 0 : i32
      %dma_start3A_53 = tpu.memref_slice %arg8[%dma_start3A_51, %dma_start3A_52] : memref<128x16xf32, #tpu.memory_space<vmem>> -> memref<128x16xf32, #tpu.memory_space<vmem>>
      tpu.enqueue_dma source(%dma_start3A_53 : memref<128x16xf32, #tpu.memory_space<vmem>>) target(%dma_start3A_50 : memref<128x16xf32, #tpu.memory_space<vmem_shared>>) target_semaphore(%run_scoped3A : memref<!tpu.dma_semaphore, #tpu.memory_space<semaphore_mem>>)
      %dma_wait3A = arith.constant 0 : i32
      %dma_wait3A_54 = arith.constant 0 : i32
      %dma_wait3A_55 = tpu.memref_slice %arg8[%dma_wait3A, %dma_wait3A_54] : memref<128x16xf32, #tpu.memory_space<vmem>> -> memref<128x16xf32, #tpu.memory_space<vmem>>
      %dma_wait3A_56 = arith.constant 0 : i32
      %dma_wait3A_57 = tpu.memref_slice %arg10[%add3A_17, %dma_wait3A_56] : memref<10112x16xf32, #tpu.memory_space<vmem_shared>> -> memref<128x16xf32, #tpu.memory_space<vmem_shared>>
      %dma_wait3A_58 = arith.constant 0 : i32
      %dma_wait3A_59 = tpu.memref_slice %arg10[%add3A_17, %dma_wait3A_58] : memref<10112x16xf32, #tpu.memory_space<vmem_shared>> -> memref<128x16xf32, #tpu.memory_space<vmem_shared>>
      %dma_wait3A_60 = arith.constant 0 : i32
      %dma_wait3A_61 = arith.constant 0 : i32
      %dma_wait3A_62 = tpu.memref_slice %arg8[%dma_wait3A_60, %dma_wait3A_61] : memref<128x16xf32, #tpu.memory_space<vmem>> -> memref<128x16xf32, #tpu.memory_space<vmem>>
      tpu.wait_dma2 semaphore(%run_scoped3A : memref<!tpu.dma_semaphore, #tpu.memory_space<semaphore_mem>>) src(%dma_wait3A_62 : memref<128x16xf32, #tpu.memory_space<vmem>>) dst(%dma_wait3A_59 : memref<128x16xf32, #tpu.memory_space<vmem_shared>>)
      tpu.yield
    }) : () -> ()
    %add3A_18 = arith.constant 128 : i32
    %add3A_19 = arith.addi %mul3A_15, %add3A_18 : i32
    "tpu.region"() ({
      %run_scoped3A = tpu.sem_alloc : memref<!tpu.dma_semaphore, #tpu.memory_space<semaphore_mem>>
      %dma_start3A = arith.constant 0 : i32
      %dma_start3A_45 = arith.constant 0 : i32
      %dma_start3A_46 = tpu.memref_slice %arg8[%dma_start3A, %dma_start3A_45] : memref<128x16xf32, #tpu.memory_space<vmem>> -> memref<128x16xf32, #tpu.memory_space<vmem>>
      %dma_start3A_47 = arith.constant 0 : i32
      %dma_start3A_48 = tpu.memref_slice %arg10[%add3A_19, %dma_start3A_47] : memref<10112x16xf32, #tpu.memory_space<vmem_shared>> -> memref<128x16xf32, #tpu.memory_space<vmem_shared>>
      %dma_start3A_49 = arith.constant 0 : i32
      %dma_start3A_50 = tpu.memref_slice %arg10[%add3A_19, %dma_start3A_49] : memref<10112x16xf32, #tpu.memory_space<vmem_shared>> -> memref<128x16xf32, #tpu.memory_space<vmem_shared>>
      %dma_start3A_51 = arith.constant 0 : i32
      %dma_start3A_52 = arith.constant 0 : i32
      %dma_start3A_53 = tpu.memref_slice %arg8[%dma_start3A_51, %dma_start3A_52] : memref<128x16xf32, #tpu.memory_space<vmem>> -> memref<128x16xf32, #tpu.memory_space<vmem>>
      tpu.enqueue_dma source(%dma_start3A_53 : memref<128x16xf32, #tpu.memory_space<vmem>>) target(%dma_start3A_50 : memref<128x16xf32, #tpu.memory_space<vmem_shared>>) target_semaphore(%run_scoped3A : memref<!tpu.dma_semaphore, #tpu.memory_space<semaphore_mem>>)
      %dma_wait3A = arith.constant 0 : i32
      %dma_wait3A_54 = arith.constant 0 : i32
      %dma_wait3A_55 = tpu.memref_slice %arg8[%dma_wait3A, %dma_wait3A_54] : memref<128x16xf32, #tpu.memory_space<vmem>> -> memref<128x16xf32, #tpu.memory_space<vmem>>
      %dma_wait3A_56 = arith.constant 0 : i32
      %dma_wait3A_57 = tpu.memref_slice %arg10[%add3A_19, %dma_wait3A_56] : memref<10112x16xf32, #tpu.memory_space<vmem_shared>> -> memref<128x16xf32, #tpu.memory_space<vmem_shared>>
      %dma_wait3A_58 = arith.constant 0 : i32
      %dma_wait3A_59 = tpu.memref_slice %arg10[%add3A_19, %dma_wait3A_58] : memref<10112x16xf32, #tpu.memory_space<vmem_shared>> -> memref<128x16xf32, #tpu.memory_space<vmem_shared>>
      %dma_wait3A_60 = arith.constant 0 : i32
      %dma_wait3A_61 = arith.constant 0 : i32
      %dma_wait3A_62 = tpu.memref_slice %arg8[%dma_wait3A_60, %dma_wait3A_61] : memref<128x16xf32, #tpu.memory_space<vmem>> -> memref<128x16xf32, #tpu.memory_space<vmem>>
      tpu.wait_dma2 semaphore(%run_scoped3A : memref<!tpu.dma_semaphore, #tpu.memory_space<semaphore_mem>>) src(%dma_wait3A_62 : memref<128x16xf32, #tpu.memory_space<vmem>>) dst(%dma_wait3A_59 : memref<128x16xf32, #tpu.memory_space<vmem_shared>>)
      tpu.yield
    }) : () -> ()
    %add3A_20 = arith.constant 256 : i32
    %add3A_21 = arith.addi %mul3A_15, %add3A_20 : i32
    "tpu.region"() ({
      %run_scoped3A = tpu.sem_alloc : memref<!tpu.dma_semaphore, #tpu.memory_space<semaphore_mem>>
      %dma_start3A = arith.constant 0 : i32
      %dma_start3A_45 = arith.constant 0 : i32
      %dma_start3A_46 = tpu.memref_slice %arg8[%dma_start3A, %dma_start3A_45] : memref<128x16xf32, #tpu.memory_space<vmem>> -> memref<128x16xf32, #tpu.memory_space<vmem>>
      %dma_start3A_47 = arith.constant 0 : i32
      %dma_start3A_48 = tpu.memref_slice %arg10[%add3A_21, %dma_start3A_47] : memref<10112x16xf32, #tpu.memory_space<vmem_shared>> -> memref<128x16xf32, #tpu.memory_space<vmem_shared>>
      %dma_start3A_49 = arith.constant 0 : i32
      %dma_start3A_50 = tpu.memref_slice %arg10[%add3A_21, %dma_start3A_49] : memref<10112x16xf32, #tpu.memory_space<vmem_shared>> -> memref<128x16xf32, #tpu.memory_space<vmem_shared>>
      %dma_start3A_51 = arith.constant 0 : i32
      %dma_start3A_52 = arith.constant 0 : i32
      %dma_start3A_53 = tpu.memref_slice %arg8[%dma_start3A_51, %dma_start3A_52] : memref<128x16xf32, #tpu.memory_space<vmem>> -> memref<128x16xf32, #tpu.memory_space<vmem>>
      tpu.enqueue_dma source(%dma_start3A_53 : memref<128x16xf32, #tpu.memory_space<vmem>>) target(%dma_start3A_50 : memref<128x16xf32, #tpu.memory_space<vmem_shared>>) target_semaphore(%run_scoped3A : memref<!tpu.dma_semaphore, #tpu.memory_space<semaphore_mem>>)
      %dma_wait3A = arith.constant 0 : i32
      %dma_wait3A_54 = arith.constant 0 : i32
      %dma_wait3A_55 = tpu.memref_slice %arg8[%dma_wait3A, %dma_wait3A_54] : memref<128x16xf32, #tpu.memory_space<vmem>> -> memref<128x16xf32, #tpu.memory_space<vmem>>
      %dma_wait3A_56 = arith.constant 0 : i32
      %dma_wait3A_57 = tpu.memref_slice %arg10[%add3A_21, %dma_wait3A_56] : memref<10112x16xf32, #tpu.memory_space<vmem_shared>> -> memref<128x16xf32, #tpu.memory_space<vmem_shared>>
      %dma_wait3A_58 = arith.constant 0 : i32
      %dma_wait3A_59 = tpu.memref_slice %arg10[%add3A_21, %dma_wait3A_58] : memref<10112x16xf32, #tpu.memory_space<vmem_shared>> -> memref<128x16xf32, #tpu.memory_space<vmem_shared>>
      %dma_wait3A_60 = arith.constant 0 : i32
      %dma_wait3A_61 = arith.constant 0 : i32
      %dma_wait3A_62 = tpu.memref_slice %arg8[%dma_wait3A_60, %dma_wait3A_61] : memref<128x16xf32, #tpu.memory_space<vmem>> -> memref<128x16xf32, #tpu.memory_space<vmem>>
      tpu.wait_dma2 semaphore(%run_scoped3A : memref<!tpu.dma_semaphore, #tpu.memory_space<semaphore_mem>>) src(%dma_wait3A_62 : memref<128x16xf32, #tpu.memory_space<vmem>>) dst(%dma_wait3A_59 : memref<128x16xf32, #tpu.memory_space<vmem_shared>>)
      tpu.yield
    }) : () -> ()
    %add3A_22 = arith.constant 384 : i32
    %add3A_23 = arith.addi %mul3A_15, %add3A_22 : i32
    "tpu.region"() ({
      %run_scoped3A = tpu.sem_alloc : memref<!tpu.dma_semaphore, #tpu.memory_space<semaphore_mem>>
      %dma_start3A = arith.constant 0 : i32
      %dma_start3A_45 = arith.constant 0 : i32
      %dma_start3A_46 = tpu.memref_slice %arg8[%dma_start3A, %dma_start3A_45] : memref<128x16xf32, #tpu.memory_space<vmem>> -> memref<128x16xf32, #tpu.memory_space<vmem>>
      %dma_start3A_47 = arith.constant 0 : i32
      %dma_start3A_48 = tpu.memref_slice %arg10[%add3A_23, %dma_start3A_47] : memref<10112x16xf32, #tpu.memory_space<vmem_shared>> -> memref<128x16xf32, #tpu.memory_space<vmem_shared>>
      %dma_start3A_49 = arith.constant 0 : i32
      %dma_start3A_50 = tpu.memref_slice %arg10[%add3A_23, %dma_start3A_49] : memref<10112x16xf32, #tpu.memory_space<vmem_shared>> -> memref<128x16xf32, #tpu.memory_space<vmem_shared>>
      %dma_start3A_51 = arith.constant 0 : i32
      %dma_start3A_52 = arith.constant 0 : i32
      %dma_start3A_53 = tpu.memref_slice %arg8[%dma_start3A_51, %dma_start3A_52] : memref<128x16xf32, #tpu.memory_space<vmem>> -> memref<128x16xf32, #tpu.memory_space<vmem>>
      tpu.enqueue_dma source(%dma_start3A_53 : memref<128x16xf32, #tpu.memory_space<vmem>>) target(%dma_start3A_50 : memref<128x16xf32, #tpu.memory_space<vmem_shared>>) target_semaphore(%run_scoped3A : memref<!tpu.dma_semaphore, #tpu.memory_space<semaphore_mem>>)
      %dma_wait3A = arith.constant 0 : i32
      %dma_wait3A_54 = arith.constant 0 : i32
      %dma_wait3A_55 = tpu.memref_slice %arg8[%dma_wait3A, %dma_wait3A_54] : memref<128x16xf32, #tpu.memory_space<vmem>> -> memref<128x16xf32, #tpu.memory_space<vmem>>
      %dma_wait3A_56 = arith.constant 0 : i32
      %dma_wait3A_57 = tpu.memref_slice %arg10[%add3A_23, %dma_wait3A_56] : memref<10112x16xf32, #tpu.memory_space<vmem_shared>> -> memref<128x16xf32, #tpu.memory_space<vmem_shared>>
      %dma_wait3A_58 = arith.constant 0 : i32
      %dma_wait3A_59 = tpu.memref_slice %arg10[%add3A_23, %dma_wait3A_58] : memref<10112x16xf32, #tpu.memory_space<vmem_shared>> -> memref<128x16xf32, #tpu.memory_space<vmem_shared>>
      %dma_wait3A_60 = arith.constant 0 : i32
      %dma_wait3A_61 = arith.constant 0 : i32
      %dma_wait3A_62 = tpu.memref_slice %arg8[%dma_wait3A_60, %dma_wait3A_61] : memref<128x16xf32, #tpu.memory_space<vmem>> -> memref<128x16xf32, #tpu.memory_space<vmem>>
      tpu.wait_dma2 semaphore(%run_scoped3A : memref<!tpu.dma_semaphore, #tpu.memory_space<semaphore_mem>>) src(%dma_wait3A_62 : memref<128x16xf32, #tpu.memory_space<vmem>>) dst(%dma_wait3A_59 : memref<128x16xf32, #tpu.memory_space<vmem_shared>>)
      tpu.yield
    }) : () -> ()
    %add3A_24 = arith.constant 512 : i32
    %add3A_25 = arith.addi %mul3A_15, %add3A_24 : i32
    "tpu.region"() ({
      %run_scoped3A = tpu.sem_alloc : memref<!tpu.dma_semaphore, #tpu.memory_space<semaphore_mem>>
      %dma_start3A = arith.constant 0 : i32
      %dma_start3A_45 = arith.constant 0 : i32
      %dma_start3A_46 = tpu.memref_slice %arg8[%dma_start3A, %dma_start3A_45] : memref<128x16xf32, #tpu.memory_space<vmem>> -> memref<120x16xf32, #tpu.memory_space<vmem>>
      %dma_start3A_47 = arith.constant 0 : i32
      %dma_start3A_48 = tpu.memref_slice %arg10[%add3A_25, %dma_start3A_47] : memref<10112x16xf32, #tpu.memory_space<vmem_shared>> -> memref<120x16xf32, #tpu.memory_space<vmem_shared>>
      %dma_start3A_49 = arith.constant 0 : i32
      %dma_start3A_50 = tpu.memref_slice %arg10[%add3A_25, %dma_start3A_49] : memref<10112x16xf32, #tpu.memory_space<vmem_shared>> -> memref<120x16xf32, #tpu.memory_space<vmem_shared>>
      %dma_start3A_51 = arith.constant 0 : i32
      %dma_start3A_52 = arith.constant 0 : i32
      %dma_start3A_53 = tpu.memref_slice %arg8[%dma_start3A_51, %dma_start3A_52] : memref<128x16xf32, #tpu.memory_space<vmem>> -> memref<120x16xf32, #tpu.memory_space<vmem>>
      tpu.enqueue_dma source(%dma_start3A_53 : memref<120x16xf32, #tpu.memory_space<vmem>>) target(%dma_start3A_50 : memref<120x16xf32, #tpu.memory_space<vmem_shared>>) target_semaphore(%run_scoped3A : memref<!tpu.dma_semaphore, #tpu.memory_space<semaphore_mem>>)
      %dma_wait3A = arith.constant 0 : i32
      %dma_wait3A_54 = arith.constant 0 : i32
      %dma_wait3A_55 = tpu.memref_slice %arg8[%dma_wait3A, %dma_wait3A_54] : memref<128x16xf32, #tpu.memory_space<vmem>> -> memref<120x16xf32, #tpu.memory_space<vmem>>
      %dma_wait3A_56 = arith.constant 0 : i32
      %dma_wait3A_57 = tpu.memref_slice %arg10[%add3A_25, %dma_wait3A_56] : memref<10112x16xf32, #tpu.memory_space<vmem_shared>> -> memref<120x16xf32, #tpu.memory_space<vmem_shared>>
      %dma_wait3A_58 = arith.constant 0 : i32
      %dma_wait3A_59 = tpu.memref_slice %arg10[%add3A_25, %dma_wait3A_58] : memref<10112x16xf32, #tpu.memory_space<vmem_shared>> -> memref<120x16xf32, #tpu.memory_space<vmem_shared>>
      %dma_wait3A_60 = arith.constant 0 : i32
      %dma_wait3A_61 = arith.constant 0 : i32
      %dma_wait3A_62 = tpu.memref_slice %arg8[%dma_wait3A_60, %dma_wait3A_61] : memref<128x16xf32, #tpu.memory_space<vmem>> -> memref<120x16xf32, #tpu.memory_space<vmem>>
      tpu.wait_dma2 semaphore(%run_scoped3A : memref<!tpu.dma_semaphore, #tpu.memory_space<semaphore_mem>>) src(%dma_wait3A_62 : memref<120x16xf32, #tpu.memory_space<vmem>>) dst(%dma_wait3A_59 : memref<120x16xf32, #tpu.memory_space<vmem_shared>>)
      tpu.yield
    }) : () -> ()
    %barrier3A = arith.constant 0 : index
    tpu.barrier barrier_id(%barrier3A)
    %mul3A_26 = arith.constant 80 : i32
    %mul3A_27 = arith.muli %add3A, %mul3A_26 : i32
    %add3A_28 = arith.constant 0 : i32
    %add3A_29 = arith.addi %mul3A_27, %add3A_28 : i32
    "tpu.region"() ({
      %run_scoped3A = tpu.sem_alloc : memref<!tpu.dma_semaphore, #tpu.memory_space<semaphore_mem>>
      %dma_start3A = arith.constant 0 : i32
      %dma_start3A_45 = tpu.memref_slice %arg2[%add3A_29, %dma_start3A] : memref<2560x128xi32, #tpu.memory_space<hbm>> -> memref<40x128xi32, #tpu.memory_space<hbm>>
      %dma_start3A_46 = arith.constant 0 : i32
      %dma_start3A_47 = tpu.memref_slice %arg2[%add3A_29, %dma_start3A_46] : memref<2560x128xi32, #tpu.memory_space<hbm>> -> memref<40x128xi32, #tpu.memory_space<hbm>>
      tpu.enqueue_dma source(%dma_start3A_47 : memref<40x128xi32, #tpu.memory_space<hbm>>) target(%arg6 : memref<40x128xi32, #tpu.memory_space<vmem>>) target_semaphore(%run_scoped3A : memref<!tpu.dma_semaphore, #tpu.memory_space<semaphore_mem>>)
      %dma_wait3A = arith.constant 0 : i32
      %dma_wait3A_48 = tpu.memref_slice %arg2[%add3A_29, %dma_wait3A] : memref<2560x128xi32, #tpu.memory_space<hbm>> -> memref<40x128xi32, #tpu.memory_space<hbm>>
      %dma_wait3A_49 = arith.constant 0 : i32
      %dma_wait3A_50 = tpu.memref_slice %arg2[%add3A_29, %dma_wait3A_49] : memref<2560x128xi32, #tpu.memory_space<hbm>> -> memref<40x128xi32, #tpu.memory_space<hbm>>
      tpu.wait_dma2 semaphore(%run_scoped3A : memref<!tpu.dma_semaphore, #tpu.memory_space<semaphore_mem>>) src(%dma_wait3A_50 : memref<40x128xi32, #tpu.memory_space<hbm>>) dst(%arg6 : memref<40x128xi32, #tpu.memory_space<vmem>>)
      tpu.yield
    }) : () -> ()
    "tpu.region"() ({
      %run_scoped3A = tpu.sem_alloc : memref<!tpu.dma_semaphore, #tpu.memory_space<semaphore_mem>>
      %dma_start3A = arith.constant 0 : i32
      %dma_start3A_45 = tpu.memref_slice %arg3[%add3A_29, %dma_start3A] : memref<2560x128xi32, #tpu.memory_space<hbm>> -> memref<40x128xi32, #tpu.memory_space<hbm>>
      %dma_start3A_46 = arith.constant 0 : i32
      %dma_start3A_47 = tpu.memref_slice %arg3[%add3A_29, %dma_start3A_46] : memref<2560x128xi32, #tpu.memory_space<hbm>> -> memref<40x128xi32, #tpu.memory_space<hbm>>
      tpu.enqueue_dma source(%dma_start3A_47 : memref<40x128xi32, #tpu.memory_space<hbm>>) target(%arg7 : memref<40x128xi32, #tpu.memory_space<vmem>>) target_semaphore(%run_scoped3A : memref<!tpu.dma_semaphore, #tpu.memory_space<semaphore_mem>>)
      %dma_wait3A = arith.constant 0 : i32
      %dma_wait3A_48 = tpu.memref_slice %arg3[%add3A_29, %dma_wait3A] : memref<2560x128xi32, #tpu.memory_space<hbm>> -> memref<40x128xi32, #tpu.memory_space<hbm>>
      %dma_wait3A_49 = arith.constant 0 : i32
      %dma_wait3A_50 = tpu.memref_slice %arg3[%add3A_29, %dma_wait3A_49] : memref<2560x128xi32, #tpu.memory_space<hbm>> -> memref<40x128xi32, #tpu.memory_space<hbm>>
      tpu.wait_dma2 semaphore(%run_scoped3A : memref<!tpu.dma_semaphore, #tpu.memory_space<semaphore_mem>>) src(%dma_wait3A_50 : memref<40x128xi32, #tpu.memory_space<hbm>>) dst(%arg7 : memref<40x128xi32, #tpu.memory_space<vmem>>)
      tpu.yield
    }) : () -> ()
    %scan3A_30 = arith.constant 0 : i32
    %scan3A_31 = arith.constant 40 : i32
    %scan3A_32 = arith.addi %scan3A_30, %scan3A_31 : i32
    %scan3A_33 = arith.constant 1 : i32
    scf.for %scan3A_45 = %scan3A_30 to %scan3A_32 step %scan3A_33  : i32 {
      %dma_start3A = arith.constant 0 : i32
      %dma_start3A_46 = tpu.memref_slice %arg6[%scan3A_45, %dma_start3A] : memref<40x128xi32, #tpu.memory_space<vmem>> -> memref<1x128xi32, #tpu.memory_space<vmem>>
      %dma_start3A_47 = tpu.memref_squeeze %dma_start3A_46 : memref<1x128xi32, #tpu.memory_space<vmem>> -> memref<128xi32, #tpu.memory_space<vmem>>
      %dma_start3A_48 = arith.constant 0 : i32
      %dma_start3A_49 = arith.constant 0 : i32
      %dma_start3A_50 = tpu.memref_slice %arg9[%dma_start3A_48, %dma_start3A_49] : memref<10000x16xf32, #tpu.memory_space<vmem_shared>> -> memref<10000x16xf32, #tpu.memory_space<vmem_shared>>
      tpu.enqueue_indirect_dma source(%dma_start3A_50 : memref<10000x16xf32, #tpu.memory_space<vmem_shared>>) target(%arg8 : memref<128x16xf32, #tpu.memory_space<vmem>>) offsets(%dma_start3A_47 : memref<128xi32, #tpu.memory_space<vmem>>) semaphore(%arg11 : memref<!tpu.dma_semaphore, #tpu.memory_space<semaphore_mem>>)
      %dma_wait3A = arith.constant 0 : i32
      %dma_wait3A_51 = tpu.memref_slice %arg6[%scan3A_45, %dma_wait3A] : memref<40x128xi32, #tpu.memory_space<vmem>> -> memref<1x128xi32, #tpu.memory_space<vmem>>
      %dma_wait3A_52 = tpu.memref_squeeze %dma_wait3A_51 : memref<1x128xi32, #tpu.memory_space<vmem>> -> memref<128xi32, #tpu.memory_space<vmem>>
      %dma_wait3A_53 = arith.constant 0 : i32
      %dma_wait3A_54 = arith.constant 0 : i32
      %dma_wait3A_55 = tpu.memref_slice %arg9[%dma_wait3A_53, %dma_wait3A_54] : memref<10000x16xf32, #tpu.memory_space<vmem_shared>> -> memref<10000x16xf32, #tpu.memory_space<vmem_shared>>
      tpu.wait_indirect_dma semaphore(%arg11 : memref<!tpu.dma_semaphore, #tpu.memory_space<semaphore_mem>>) src(%dma_wait3A_55 : memref<10000x16xf32, #tpu.memory_space<vmem_shared>>) dst(%arg8 : memref<128x16xf32, #tpu.memory_space<vmem>>)
      "tpu.region"() ({
        %run_scoped3A = tpu.sem_alloc : memref<!tpu.dma_semaphore, #tpu.memory_space<semaphore_mem>>
        %dma_start3A_56 = arith.constant 0 : i32
        %dma_start3A_57 = tpu.memref_slice %arg7[%scan3A_45, %dma_start3A_56] : memref<40x128xi32, #tpu.memory_space<vmem>> -> memref<1x128xi32, #tpu.memory_space<vmem>>
        %dma_start3A_58 = tpu.memref_squeeze %dma_start3A_57 : memref<1x128xi32, #tpu.memory_space<vmem>> -> memref<128xi32, #tpu.memory_space<vmem>>
        %dma_start3A_59 = arith.constant 0 : i32
        %dma_start3A_60 = arith.constant 0 : i32
        %dma_start3A_61 = tpu.memref_slice %arg10[%dma_start3A_59, %dma_start3A_60] : memref<10112x16xf32, #tpu.memory_space<vmem_shared>> -> memref<10112x16xf32, #tpu.memory_space<vmem_shared>>
        tpu.enqueue_indirect_dma source(%arg8 : memref<128x16xf32, #tpu.memory_space<vmem>>) target(%dma_start3A_61 : memref<10112x16xf32, #tpu.memory_space<vmem_shared>>) offsets(%dma_start3A_58 : memref<128xi32, #tpu.memory_space<vmem>>) semaphore(%run_scoped3A : memref<!tpu.dma_semaphore, #tpu.memory_space<semaphore_mem>>) {add = true}
        %dma_wait3A_62 = arith.constant 0 : i32
        %dma_wait3A_63 = tpu.memref_slice %arg7[%scan3A_45, %dma_wait3A_62] : memref<40x128xi32, #tpu.memory_space<vmem>> -> memref<1x128xi32, #tpu.memory_space<vmem>>
        %dma_wait3A_64 = tpu.memref_squeeze %dma_wait3A_63 : memref<1x128xi32, #tpu.memory_space<vmem>> -> memref<128xi32, #tpu.memory_space<vmem>>
        %dma_wait3A_65 = arith.constant 0 : i32
        %dma_wait3A_66 = arith.constant 0 : i32
        %dma_wait3A_67 = tpu.memref_slice %arg10[%dma_wait3A_65, %dma_wait3A_66] : memref<10112x16xf32, #tpu.memory_space<vmem_shared>> -> memref<10112x16xf32, #tpu.memory_space<vmem_shared>>
        tpu.wait_indirect_dma semaphore(%run_scoped3A : memref<!tpu.dma_semaphore, #tpu.memory_space<semaphore_mem>>) src(%arg8 : memref<128x16xf32, #tpu.memory_space<vmem>>) dst(%dma_wait3A_67 : memref<10112x16xf32, #tpu.memory_space<vmem_shared>>)
        tpu.yield
      }) : () -> ()
    }
    %scan3A_34 = arith.constant 40 : i32
    %mul3A_35 = arith.constant 80 : i32
    %mul3A_36 = arith.muli %add3A, %mul3A_35 : i32
    %add3A_37 = arith.constant 40 : i32
    %add3A_38 = arith.addi %mul3A_36, %add3A_37 : i32
    "tpu.region"() ({
      %run_scoped3A = tpu.sem_alloc : memref<!tpu.dma_semaphore, #tpu.memory_space<semaphore_mem>>
      %dma_start3A = arith.constant 0 : i32
      %dma_start3A_45 = tpu.memref_slice %arg2[%add3A_38, %dma_start3A] : memref<2560x128xi32, #tpu.memory_space<hbm>> -> memref<40x128xi32, #tpu.memory_space<hbm>>
      %dma_start3A_46 = arith.constant 0 : i32
      %dma_start3A_47 = tpu.memref_slice %arg2[%add3A_38, %dma_start3A_46] : memref<2560x128xi32, #tpu.memory_space<hbm>> -> memref<40x128xi32, #tpu.memory_space<hbm>>
      tpu.enqueue_dma source(%dma_start3A_47 : memref<40x128xi32, #tpu.memory_space<hbm>>) target(%arg6 : memref<40x128xi32, #tpu.memory_space<vmem>>) target_semaphore(%run_scoped3A : memref<!tpu.dma_semaphore, #tpu.memory_space<semaphore_mem>>)
      %dma_wait3A = arith.constant 0 : i32
      %dma_wait3A_48 = tpu.memref_slice %arg2[%add3A_38, %dma_wait3A] : memref<2560x128xi32, #tpu.memory_space<hbm>> -> memref<40x128xi32, #tpu.memory_space<hbm>>
      %dma_wait3A_49 = arith.constant 0 : i32
      %dma_wait3A_50 = tpu.memref_slice %arg2[%add3A_38, %dma_wait3A_49] : memref<2560x128xi32, #tpu.memory_space<hbm>> -> memref<40x128xi32, #tpu.memory_space<hbm>>
      tpu.wait_dma2 semaphore(%run_scoped3A : memref<!tpu.dma_semaphore, #tpu.memory_space<semaphore_mem>>) src(%dma_wait3A_50 : memref<40x128xi32, #tpu.memory_space<hbm>>) dst(%arg6 : memref<40x128xi32, #tpu.memory_space<vmem>>)
      tpu.yield
    }) : () -> ()
    "tpu.region"() ({
      %run_scoped3A = tpu.sem_alloc : memref<!tpu.dma_semaphore, #tpu.memory_space<semaphore_mem>>
      %dma_start3A = arith.constant 0 : i32
      %dma_start3A_45 = tpu.memref_slice %arg3[%add3A_38, %dma_start3A] : memref<2560x128xi32, #tpu.memory_space<hbm>> -> memref<40x128xi32, #tpu.memory_space<hbm>>
      %dma_start3A_46 = arith.constant 0 : i32
      %dma_start3A_47 = tpu.memref_slice %arg3[%add3A_38, %dma_start3A_46] : memref<2560x128xi32, #tpu.memory_space<hbm>> -> memref<40x128xi32, #tpu.memory_space<hbm>>
      tpu.enqueue_dma source(%dma_start3A_47 : memref<40x128xi32, #tpu.memory_space<hbm>>) target(%arg7 : memref<40x128xi32, #tpu.memory_space<vmem>>) target_semaphore(%run_scoped3A : memref<!tpu.dma_semaphore, #tpu.memory_space<semaphore_mem>>)
      %dma_wait3A = arith.constant 0 : i32
      %dma_wait3A_48 = tpu.memref_slice %arg3[%add3A_38, %dma_wait3A] : memref<2560x128xi32, #tpu.memory_space<hbm>> -> memref<40x128xi32, #tpu.memory_space<hbm>>
      %dma_wait3A_49 = arith.constant 0 : i32
      %dma_wait3A_50 = tpu.memref_slice %arg3[%add3A_38, %dma_wait3A_49] : memref<2560x128xi32, #tpu.memory_space<hbm>> -> memref<40x128xi32, #tpu.memory_space<hbm>>
      tpu.wait_dma2 semaphore(%run_scoped3A : memref<!tpu.dma_semaphore, #tpu.memory_space<semaphore_mem>>) src(%dma_wait3A_50 : memref<40x128xi32, #tpu.memory_space<hbm>>) dst(%arg7 : memref<40x128xi32, #tpu.memory_space<vmem>>)
      tpu.yield
    }) : () -> ()
    %scan3A_39 = arith.constant 0 : i32
    %scan3A_40 = arith.constant 40 : i32
    %scan3A_41 = arith.addi %scan3A_39, %scan3A_40 : i32
    %scan3A_42 = arith.constant 1 : i32
    scf.for %scan3A_45 = %scan3A_39 to %scan3A_41 step %scan3A_42  : i32 {
      %dma_start3A = arith.constant 0 : i32
      %dma_start3A_46 = tpu.memref_slice %arg6[%scan3A_45, %dma_start3A] : memref<40x128xi32, #tpu.memory_space<vmem>> -> memref<1x128xi32, #tpu.memory_space<vmem>>
      %dma_start3A_47 = tpu.memref_squeeze %dma_start3A_46 : memref<1x128xi32, #tpu.memory_space<vmem>> -> memref<128xi32, #tpu.memory_space<vmem>>
      %dma_start3A_48 = arith.constant 0 : i32
      %dma_start3A_49 = arith.constant 0 : i32
      %dma_start3A_50 = tpu.memref_slice %arg9[%dma_start3A_48, %dma_start3A_49] : memref<10000x16xf32, #tpu.memory_space<vmem_shared>> -> memref<10000x16xf32, #tpu.memory_space<vmem_shared>>
      tpu.enqueue_indirect_dma source(%dma_start3A_50 : memref<10000x16xf32, #tpu.memory_space<vmem_shared>>) target(%arg8 : memref<128x16xf32, #tpu.memory_space<vmem>>) offsets(%dma_start3A_47 : memref<128xi32, #tpu.memory_space<vmem>>) semaphore(%arg11 : memref<!tpu.dma_semaphore, #tpu.memory_space<semaphore_mem>>)
      %dma_wait3A = arith.constant 0 : i32
      %dma_wait3A_51 = tpu.memref_slice %arg6[%scan3A_45, %dma_wait3A] : memref<40x128xi32, #tpu.memory_space<vmem>> -> memref<1x128xi32, #tpu.memory_space<vmem>>
      %dma_wait3A_52 = tpu.memref_squeeze %dma_wait3A_51 : memref<1x128xi32, #tpu.memory_space<vmem>> -> memref<128xi32, #tpu.memory_space<vmem>>
      %dma_wait3A_53 = arith.constant 0 : i32
      %dma_wait3A_54 = arith.constant 0 : i32
      %dma_wait3A_55 = tpu.memref_slice %arg9[%dma_wait3A_53, %dma_wait3A_54] : memref<10000x16xf32, #tpu.memory_space<vmem_shared>> -> memref<10000x16xf32, #tpu.memory_space<vmem_shared>>
      tpu.wait_indirect_dma semaphore(%arg11 : memref<!tpu.dma_semaphore, #tpu.memory_space<semaphore_mem>>) src(%dma_wait3A_55 : memref<10000x16xf32, #tpu.memory_space<vmem_shared>>) dst(%arg8 : memref<128x16xf32, #tpu.memory_space<vmem>>)
      "tpu.region"() ({
        %run_scoped3A = tpu.sem_alloc : memref<!tpu.dma_semaphore, #tpu.memory_space<semaphore_mem>>
        %dma_start3A_56 = arith.constant 0 : i32
        %dma_start3A_57 = tpu.memref_slice %arg7[%scan3A_45, %dma_start3A_56] : memref<40x128xi32, #tpu.memory_space<vmem>> -> memref<1x128xi32, #tpu.memory_space<vmem>>
        %dma_start3A_58 = tpu.memref_squeeze %dma_start3A_57 : memref<1x128xi32, #tpu.memory_space<vmem>> -> memref<128xi32, #tpu.memory_space<vmem>>
        %dma_start3A_59 = arith.constant 0 : i32
        %dma_start3A_60 = arith.constant 0 : i32
        %dma_start3A_61 = tpu.memref_slice %arg10[%dma_start3A_59, %dma_start3A_60] : memref<10112x16xf32, #tpu.memory_space<vmem_shared>> -> memref<10112x16xf32, #tpu.memory_space<vmem_shared>>
        tpu.enqueue_indirect_dma source(%arg8 : memref<128x16xf32, #tpu.memory_space<vmem>>) target(%dma_start3A_61 : memref<10112x16xf32, #tpu.memory_space<vmem_shared>>) offsets(%dma_start3A_58 : memref<128xi32, #tpu.memory_space<vmem>>) semaphore(%run_scoped3A : memref<!tpu.dma_semaphore, #tpu.memory_space<semaphore_mem>>) {add = true}
        %dma_wait3A_62 = arith.constant 0 : i32
        %dma_wait3A_63 = tpu.memref_slice %arg7[%scan3A_45, %dma_wait3A_62] : memref<40x128xi32, #tpu.memory_space<vmem>> -> memref<1x128xi32, #tpu.memory_space<vmem>>
        %dma_wait3A_64 = tpu.memref_squeeze %dma_wait3A_63 : memref<1x128xi32, #tpu.memory_space<vmem>> -> memref<128xi32, #tpu.memory_space<vmem>>
        %dma_wait3A_65 = arith.constant 0 : i32
        %dma_wait3A_66 = arith.constant 0 : i32
        %dma_wait3A_67 = tpu.memref_slice %arg10[%dma_wait3A_65, %dma_wait3A_66] : memref<10112x16xf32, #tpu.memory_space<vmem_shared>> -> memref<10112x16xf32, #tpu.memory_space<vmem_shared>>
        tpu.wait_indirect_dma semaphore(%run_scoped3A : memref<!tpu.dma_semaphore, #tpu.memory_space<semaphore_mem>>) src(%arg8 : memref<128x16xf32, #tpu.memory_space<vmem>>) dst(%dma_wait3A_67 : memref<10112x16xf32, #tpu.memory_space<vmem_shared>>)
        tpu.yield
      }) : () -> ()
    }
    %scan3A_43 = arith.constant 40 : i32
    %barrier3A_44 = arith.constant 0 : index
    tpu.barrier barrier_id(%barrier3A_44)
    "tpu.region"() ({
      %run_scoped3A = tpu.sem_alloc : memref<!tpu.dma_semaphore, #tpu.memory_space<semaphore_mem>>
      %dma_start3A = arith.constant 0 : i32
      %dma_start3A_45 = tpu.memref_slice %arg5[%arg0, %mul3A_15, %dma_start3A] : memref<2x10112x16xf32, #tpu.memory_space<hbm>> -> memref<1x632x16xf32, #tpu.memory_space<hbm>>
      %dma_start3A_46 = tpu.memref_squeeze %dma_start3A_45 : memref<1x632x16xf32, #tpu.memory_space<hbm>> -> memref<632x16xf32, #tpu.memory_space<hbm>>
      %dma_start3A_47 = arith.constant 0 : i32
      %dma_start3A_48 = tpu.memref_slice %arg10[%mul3A_15, %dma_start3A_47] : memref<10112x16xf32, #tpu.memory_space<vmem_shared>> -> memref<632x16xf32, #tpu.memory_space<vmem_shared>>
      tpu.enqueue_dma source(%dma_start3A_48 : memref<632x16xf32, #tpu.memory_space<vmem_shared>>) target(%dma_start3A_46 : memref<632x16xf32, #tpu.memory_space<hbm>>) target_semaphore(%run_scoped3A : memref<!tpu.dma_semaphore, #tpu.memory_space<semaphore_mem>>)
      %dma_wait3A = arith.constant 0 : i32
      %dma_wait3A_49 = tpu.memref_slice %arg5[%arg0, %mul3A_15, %dma_wait3A] : memref<2x10112x16xf32, #tpu.memory_space<hbm>> -> memref<1x632x16xf32, #tpu.memory_space<hbm>>
      %dma_wait3A_50 = tpu.memref_squeeze %dma_wait3A_49 : memref<1x632x16xf32, #tpu.memory_space<hbm>> -> memref<632x16xf32, #tpu.memory_space<hbm>>
      %dma_wait3A_51 = arith.constant 0 : i32
      %dma_wait3A_52 = tpu.memref_slice %arg10[%mul3A_15, %dma_wait3A_51] : memref<10112x16xf32, #tpu.memory_space<vmem_shared>> -> memref<632x16xf32, #tpu.memory_space<vmem_shared>>
      tpu.wait_dma2 semaphore(%run_scoped3A : memref<!tpu.dma_semaphore, #tpu.memory_space<semaphore_mem>>) src(%dma_wait3A_52 : memref<632x16xf32, #tpu.memory_space<vmem_shared>>) dst(%dma_wait3A_50 : memref<632x16xf32, #tpu.memory_space<hbm>>)
      tpu.yield
    }) : () -> ()
    return
  }
}

module attributes {stable_mosaic.version = 14 : i64} {
  func.func @body(%arg0: i32, %arg1: memref<1000x128xf32, #tpu.memory_space<vmem>>, %arg2: memref<128x128xf32, #tpu.memory_space<vmem>>, %arg3: memref<2x1000x16xf32, #tpu.memory_space<vmem>>, %arg4: memref<1000x128xf32, #tpu.memory_space<vmem>>, %arg5: memref<1000x1xf32, #tpu.memory_space<vmem>>) attributes {dimension_semantics = [#tpu.dimension_semantics<arbitrary>], iteration_bounds = array<i64: 10>, scalar_prefetch = 0 : i64, scratch_operands = 0 : i64, tpu.core_type = #tpu.core_type<tc>, window_params = [{transform_indices = @transform_0, window_bounds = array<i64: 1000, 128>}, {pipeline_mode = #tpu.pipeline_mode<synchronous>, transform_indices = @transform_1, window_bounds = array<i64: 128, 128>}, {transform_indices = @transform_2, window_bounds = array<i64: 2, 1000, 16>}, {transform_indices = @transform_3, window_bounds = array<i64: 1000, 128>}, {transform_indices = @transform_4, window_bounds = array<i64: 1000, 1>}]} {
    %get3A = arith.constant 0 : index
    %get3A_0 = arith.constant 0 : index
    %get3A_1 = arith.constant 0 : index
    %get3A_2 = vector.load %arg3[%get3A, %get3A_0, %get3A_1] : memref<2x1000x16xf32, #tpu.memory_space<vmem>>, vector<1x1000x1xf32>
    %get3A_3 = vector.shape_cast %get3A_2 : vector<1x1000x1xf32> to vector<1000x1xf32>
    %get3A_4 = arith.constant 1 : index
    %get3A_5 = arith.constant 0 : index
    %get3A_6 = arith.constant 0 : index
    %get3A_7 = vector.load %arg3[%get3A_4, %get3A_5, %get3A_6] : memref<2x1000x16xf32, #tpu.memory_space<vmem>>, vector<1x1000x1xf32>
    %get3A_8 = vector.shape_cast %get3A_7 : vector<1x1000x1xf32> to vector<1000x1xf32>
    %add3A = arith.addf %get3A_3, %get3A_8 : vector<1000x1xf32>
    %add3A_9 = arith.constant 1.000000e+00 : f32
    %add3A_10 = vector.broadcast %add3A_9 : f32 to vector<1000x1xf32>
    %add3A_11 = arith.addf %add3A, %add3A_10 : vector<1000x1xf32>
    %rsqrt3A = math.rsqrt %add3A_11 : vector<1000x1xf32>
    %get3A_12 = arith.constant 0 : index
    %get3A_13 = arith.constant 0 : index
    %get3A_14 = vector.load %arg1[%get3A_12, %get3A_13] : memref<1000x128xf32, #tpu.memory_space<vmem>>, vector<1000x128xf32>
    %get3A_15 = arith.constant 0 : index
    %get3A_16 = arith.constant 0 : index
    %get3A_17 = vector.load %arg2[%get3A_15, %get3A_16] : memref<128x128xf32, #tpu.memory_space<vmem>>, vector<128x128xf32>
    %dot_general3A = arith.constant dense<0.000000e+00> : vector<1000x128xf32>
    %dot_general3A_18 = tpu.matmul %get3A_14, %get3A_17, %dot_general3A {dimension_numbers = #tpu.dot_dimension_numbers<[1], [0], [0], [1], [0, 0, 1, 1], [], []>, transpose_lhs_hint = false} : vector<1000x128xf32>, vector<128x128xf32>, vector<1000x128xf32> -> vector<1000x128xf32>
    %mul3A = vector.broadcast %rsqrt3A : vector<1000x1xf32> to vector<1000x128xf32>
    %mul3A_19 = arith.mulf %dot_general3A_18, %mul3A : vector<1000x128xf32>
    %swap3A = arith.constant 0 : index
    %swap3A_20 = arith.constant 0 : index
    %swap3A_21 = vector.load %arg4[%swap3A, %swap3A_20] : memref<1000x128xf32, #tpu.memory_space<vmem>>, vector<1000x128xf32>
    tpu.vector_store %arg4[%swap3A, %swap3A_20], %mul3A_19 {strides = array<i32>} : memref<1000x128xf32, #tpu.memory_space<vmem>>, vector<1000x128xf32>,
    %swap3A_22 = arith.constant 0 : index
    %swap3A_23 = arith.constant 0 : index
    %swap3A_24 = vector.load %arg5[%swap3A_22, %swap3A_23] : memref<1000x1xf32, #tpu.memory_space<vmem>>, vector<1000x1xf32>
    tpu.vector_store %arg5[%swap3A_22, %swap3A_23], %rsqrt3A {strides = array<i32>} : memref<1000x1xf32, #tpu.memory_space<vmem>>, vector<1000x1xf32>,
    return
  }
  func.func @transform_0(%arg0: i32) -> (i32, i32) {
    %c0_i32 = arith.constant 0 : i32
    %c0_i32_0 = arith.constant 0 : i32
    return %arg0, %c0_i32 : i32, i32
  }
  func.func @transform_1(%arg0: i32) -> (i32, i32) {
    %c0_i32 = arith.constant 0 : i32
    %c0_i32_0 = arith.constant 0 : i32
    %c0_i32_1 = arith.constant 0 : i32
    return %c0_i32, %c0_i32_0 : i32, i32
  }
  func.func @transform_2(%arg0: i32) -> (i32, i32, i32) {
    %c0_i32 = arith.constant 0 : i32
    %c0_i32_0 = arith.constant 0 : i32
    %c0_i32_1 = arith.constant 0 : i32
    return %c0_i32, %arg0, %c0_i32_0 : i32, i32, i32
  }
  func.func @transform_3(%arg0: i32) -> (i32, i32) {
    %c0_i32 = arith.constant 0 : i32
    %c0_i32_0 = arith.constant 0 : i32
    return %arg0, %c0_i32 : i32, i32
  }
  func.func @transform_4(%arg0: i32) -> (i32, i32) {
    %c0_i32 = arith.constant 0 : i32
    %c0_i32_0 = arith.constant 0 : i32
    return %arg0, %c0_i32 : i32, i32
  }
}

module attributes {stable_mosaic.version = 14 : i64} {
  func.func @body(%arg0: i32, %arg1: memref<2x1000x128xf32, #tpu.memory_space<vmem>>, %arg2: memref<1000x128xf32, #tpu.memory_space<vmem>>, %arg3: memref<1000x1xf32, #tpu.memory_space<vmem>>, %arg4: memref<1x128xf32, #tpu.memory_space<vmem>>, %arg5: memref<128x16xf32, #tpu.memory_space<vmem>>, %arg6: memref<1000x16xf32, #tpu.memory_space<vmem>>) attributes {dimension_semantics = [#tpu.dimension_semantics<arbitrary>], iteration_bounds = array<i64: 10>, scalar_prefetch = 0 : i64, scratch_operands = 0 : i64, tpu.core_type = #tpu.core_type<tc>, window_params = [{transform_indices = @transform_0, window_bounds = array<i64: 2, 1000, 128>}, {transform_indices = @transform_1, window_bounds = array<i64: 1000, 128>}, {transform_indices = @transform_2, window_bounds = array<i64: 1000, 1>}, {pipeline_mode = #tpu.pipeline_mode<synchronous>, transform_indices = @transform_3, window_bounds = array<i64: 1, 128>}, {pipeline_mode = #tpu.pipeline_mode<synchronous>, transform_indices = @transform_4, window_bounds = array<i64: 128, 16>}, {transform_indices = @transform_5, window_bounds = array<i64: 1000, 16>}]} {
    %get3A = arith.constant 0 : index
    %get3A_0 = arith.constant 0 : index
    %get3A_1 = vector.load %arg3[%get3A, %get3A_0] : memref<1000x1xf32, #tpu.memory_space<vmem>>, vector<1000x1xf32>
    %get3A_2 = arith.constant 0 : index
    %get3A_3 = arith.constant 0 : index
    %get3A_4 = arith.constant 0 : index
    %get3A_5 = vector.load %arg1[%get3A_2, %get3A_3, %get3A_4] : memref<2x1000x128xf32, #tpu.memory_space<vmem>>, vector<1x1000x128xf32>
    %get3A_6 = vector.shape_cast %get3A_5 : vector<1x1000x128xf32> to vector<1000x128xf32>
    %get3A_7 = arith.constant 1 : index
    %get3A_8 = arith.constant 0 : index
    %get3A_9 = arith.constant 0 : index
    %get3A_10 = vector.load %arg1[%get3A_7, %get3A_8, %get3A_9] : memref<2x1000x128xf32, #tpu.memory_space<vmem>>, vector<1x1000x128xf32>
    %get3A_11 = vector.shape_cast %get3A_10 : vector<1x1000x128xf32> to vector<1000x128xf32>
    %add3A = arith.addf %get3A_6, %get3A_11 : vector<1000x128xf32>
    %mul3A = vector.broadcast %get3A_1 : vector<1000x1xf32> to vector<1000x128xf32>
    %mul3A_12 = arith.mulf %mul3A, %add3A : vector<1000x128xf32>
    %get3A_13 = arith.constant 0 : index
    %get3A_14 = arith.constant 0 : index
    %get3A_15 = vector.load %arg2[%get3A_13, %get3A_14] : memref<1000x128xf32, #tpu.memory_space<vmem>>, vector<1000x128xf32>
    %mul3A_16 = vector.broadcast %get3A_1 : vector<1000x1xf32> to vector<1000x128xf32>
    %mul3A_17 = arith.mulf %mul3A_16, %get3A_15 : vector<1000x128xf32>
    %add3A_18 = arith.addf %mul3A_12, %mul3A_17 : vector<1000x128xf32>
    %get3A_19 = arith.constant 0 : index
    %get3A_20 = arith.constant 0 : index
    %get3A_21 = vector.load %arg4[%get3A_19, %get3A_20] : memref<1x128xf32, #tpu.memory_space<vmem>>, vector<1x128xf32>
    %add3A_22 = vector.broadcast %get3A_21 : vector<1x128xf32> to vector<1000x128xf32>
    %add3A_23 = arith.addf %add3A_18, %add3A_22 : vector<1000x128xf32>
    %max3A = arith.constant 0.000000e+00 : f32
    %max3A_24 = vector.broadcast %max3A : f32 to vector<1000x128xf32>
    %max3A_25 = arith.maximumf %add3A_23, %max3A_24 : vector<1000x128xf32>
    %get3A_26 = arith.constant 0 : index
    %get3A_27 = arith.constant 0 : index
    %get3A_28 = vector.load %arg5[%get3A_26, %get3A_27] : memref<128x16xf32, #tpu.memory_space<vmem>>, vector<128x16xf32>
    %dot_general3A = arith.constant dense<0.000000e+00> : vector<1000x16xf32>
    %dot_general3A_29 = tpu.matmul %max3A_25, %get3A_28, %dot_general3A {dimension_numbers = #tpu.dot_dimension_numbers<[1], [0], [0], [1], [0, 0, 1, 1], [], []>, transpose_lhs_hint = false} : vector<1000x128xf32>, vector<128x16xf32>, vector<1000x16xf32> -> vector<1000x16xf32>
    %mul3A_30 = vector.broadcast %get3A_1 : vector<1000x1xf32> to vector<1000x16xf32>
    %mul3A_31 = arith.mulf %dot_general3A_29, %mul3A_30 : vector<1000x16xf32>
    %swap3A = arith.constant 0 : index
    %swap3A_32 = arith.constant 0 : index
    %swap3A_33 = vector.load %arg6[%swap3A, %swap3A_32] : memref<1000x16xf32, #tpu.memory_space<vmem>>, vector<1000x16xf32>
    tpu.vector_store %arg6[%swap3A, %swap3A_32], %mul3A_31 {strides = array<i32>} : memref<1000x16xf32, #tpu.memory_space<vmem>>, vector<1000x16xf32>,
    return
  }
  func.func @transform_0(%arg0: i32) -> (i32, i32, i32) {
    %c0_i32 = arith.constant 0 : i32
    %c0_i32_0 = arith.constant 0 : i32
    %c0_i32_1 = arith.constant 0 : i32
    return %c0_i32, %arg0, %c0_i32_0 : i32, i32, i32
  }
  func.func @transform_1(%arg0: i32) -> (i32, i32) {
    %c0_i32 = arith.constant 0 : i32
    %c0_i32_0 = arith.constant 0 : i32
    return %arg0, %c0_i32 : i32, i32
  }
  func.func @transform_2(%arg0: i32) -> (i32, i32) {
    %c0_i32 = arith.constant 0 : i32
    %c0_i32_0 = arith.constant 0 : i32
    return %arg0, %c0_i32 : i32, i32
  }
  func.func @transform_3(%arg0: i32) -> (i32, i32) {
    %c0_i32 = arith.constant 0 : i32
    %c0_i32_0 = arith.constant 0 : i32
    %c0_i32_1 = arith.constant 0 : i32
    return %c0_i32, %c0_i32_0 : i32, i32
  }
  func.func @transform_4(%arg0: i32) -> (i32, i32) {
    %c0_i32 = arith.constant 0 : i32
    %c0_i32_0 = arith.constant 0 : i32
    %c0_i32_1 = arith.constant 0 : i32
    return %c0_i32, %c0_i32_0 : i32, i32
  }
  func.func @transform_5(%arg0: i32) -> (i32, i32) {
    %c0_i32 = arith.constant 0 : i32
    %c0_i32_0 = arith.constant 0 : i32
    return %arg0, %c0_i32 : i32, i32
  }
}

module attributes {stable_mosaic.version = 14 : i64} {
  func.func @body(%arg0: i32, %arg1: memref<2x1000x16xf32, #tpu.memory_space<vmem>>, %arg2: memref<1000x16xf32, #tpu.memory_space<vmem>>, %arg3: memref<1000x1xf32, #tpu.memory_space<vmem>>, %arg4: memref<1x16xf32, #tpu.memory_space<vmem>>, %arg5: memref<16x10xf32, #tpu.memory_space<vmem>>, %arg6: memref<1x10xf32, #tpu.memory_space<vmem>>, %arg7: memref<1000x10xf32, #tpu.memory_space<vmem>>) attributes {dimension_semantics = [#tpu.dimension_semantics<arbitrary>], iteration_bounds = array<i64: 10>, scalar_prefetch = 0 : i64, scratch_operands = 0 : i64, tpu.core_type = #tpu.core_type<tc>, window_params = [{transform_indices = @transform_0, window_bounds = array<i64: 2, 1000, 16>}, {transform_indices = @transform_1, window_bounds = array<i64: 1000, 16>}, {transform_indices = @transform_2, window_bounds = array<i64: 1000, 1>}, {pipeline_mode = #tpu.pipeline_mode<synchronous>, transform_indices = @transform_3, window_bounds = array<i64: 1, 16>}, {pipeline_mode = #tpu.pipeline_mode<synchronous>, transform_indices = @transform_4, window_bounds = array<i64: 16, 10>}, {pipeline_mode = #tpu.pipeline_mode<synchronous>, transform_indices = @transform_5, window_bounds = array<i64: 1, 10>}, {transform_indices = @transform_6, window_bounds = array<i64: 1000, 10>}]} {
    %get3A = arith.constant 0 : index
    %get3A_0 = arith.constant 0 : index
    %get3A_1 = vector.load %arg3[%get3A, %get3A_0] : memref<1000x1xf32, #tpu.memory_space<vmem>>, vector<1000x1xf32>
    %get3A_2 = arith.constant 0 : index
    %get3A_3 = arith.constant 0 : index
    %get3A_4 = arith.constant 0 : index
    %get3A_5 = vector.load %arg1[%get3A_2, %get3A_3, %get3A_4] : memref<2x1000x16xf32, #tpu.memory_space<vmem>>, vector<1x1000x16xf32>
    %get3A_6 = vector.shape_cast %get3A_5 : vector<1x1000x16xf32> to vector<1000x16xf32>
    %get3A_7 = arith.constant 1 : index
    %get3A_8 = arith.constant 0 : index
    %get3A_9 = arith.constant 0 : index
    %get3A_10 = vector.load %arg1[%get3A_7, %get3A_8, %get3A_9] : memref<2x1000x16xf32, #tpu.memory_space<vmem>>, vector<1x1000x16xf32>
    %get3A_11 = vector.shape_cast %get3A_10 : vector<1x1000x16xf32> to vector<1000x16xf32>
    %add3A = arith.addf %get3A_6, %get3A_11 : vector<1000x16xf32>
    %mul3A = vector.broadcast %get3A_1 : vector<1000x1xf32> to vector<1000x16xf32>
    %mul3A_12 = arith.mulf %mul3A, %add3A : vector<1000x16xf32>
    %get3A_13 = arith.constant 0 : index
    %get3A_14 = arith.constant 0 : index
    %get3A_15 = vector.load %arg2[%get3A_13, %get3A_14] : memref<1000x16xf32, #tpu.memory_space<vmem>>, vector<1000x16xf32>
    %mul3A_16 = vector.broadcast %get3A_1 : vector<1000x1xf32> to vector<1000x16xf32>
    %mul3A_17 = arith.mulf %mul3A_16, %get3A_15 : vector<1000x16xf32>
    %add3A_18 = arith.addf %mul3A_12, %mul3A_17 : vector<1000x16xf32>
    %get3A_19 = arith.constant 0 : index
    %get3A_20 = arith.constant 0 : index
    %get3A_21 = vector.load %arg4[%get3A_19, %get3A_20] : memref<1x16xf32, #tpu.memory_space<vmem>>, vector<1x16xf32>
    %add3A_22 = vector.broadcast %get3A_21 : vector<1x16xf32> to vector<1000x16xf32>
    %add3A_23 = arith.addf %add3A_18, %add3A_22 : vector<1000x16xf32>
    %max3A = arith.constant 0.000000e+00 : f32
    %max3A_24 = vector.broadcast %max3A : f32 to vector<1000x16xf32>
    %max3A_25 = arith.maximumf %add3A_23, %max3A_24 : vector<1000x16xf32>
    %get3A_26 = arith.constant 0 : index
    %get3A_27 = arith.constant 0 : index
    %get3A_28 = vector.load %arg5[%get3A_26, %get3A_27] : memref<16x10xf32, #tpu.memory_space<vmem>>, vector<16x10xf32>
    %dot_general3A = arith.constant dense<0.000000e+00> : vector<1000x10xf32>
    %dot_general3A_29 = tpu.matmul %max3A_25, %get3A_28, %dot_general3A {dimension_numbers = #tpu.dot_dimension_numbers<[1], [0], [0], [1], [0, 0, 1, 1], [], []>, transpose_lhs_hint = false} : vector<1000x16xf32>, vector<16x10xf32>, vector<1000x10xf32> -> vector<1000x10xf32>
    %get3A_30 = arith.constant 0 : index
    %get3A_31 = arith.constant 0 : index
    %get3A_32 = vector.load %arg6[%get3A_30, %get3A_31] : memref<1x10xf32, #tpu.memory_space<vmem>>, vector<1x10xf32>
    %add3A_33 = vector.broadcast %get3A_32 : vector<1x10xf32> to vector<1000x10xf32>
    %add3A_34 = arith.addf %dot_general3A_29, %add3A_33 : vector<1000x10xf32>
    %swap3A = arith.constant 0 : index
    %swap3A_35 = arith.constant 0 : index
    %swap3A_36 = vector.load %arg7[%swap3A, %swap3A_35] : memref<1000x10xf32, #tpu.memory_space<vmem>>, vector<1000x10xf32>
    tpu.vector_store %arg7[%swap3A, %swap3A_35], %add3A_34 {strides = array<i32>} : memref<1000x10xf32, #tpu.memory_space<vmem>>, vector<1000x10xf32>,
    return
  }
  func.func @transform_0(%arg0: i32) -> (i32, i32, i32) {
    %c0_i32 = arith.constant 0 : i32
    %c0_i32_0 = arith.constant 0 : i32
    %c0_i32_1 = arith.constant 0 : i32
    return %c0_i32, %arg0, %c0_i32_0 : i32, i32, i32
  }
  func.func @transform_1(%arg0: i32) -> (i32, i32) {
    %c0_i32 = arith.constant 0 : i32
    %c0_i32_0 = arith.constant 0 : i32
    return %arg0, %c0_i32 : i32, i32
  }
  func.func @transform_2(%arg0: i32) -> (i32, i32) {
    %c0_i32 = arith.constant 0 : i32
    %c0_i32_0 = arith.constant 0 : i32
    return %arg0, %c0_i32 : i32, i32
  }
  func.func @transform_3(%arg0: i32) -> (i32, i32) {
    %c0_i32 = arith.constant 0 : i32
    %c0_i32_0 = arith.constant 0 : i32
    %c0_i32_1 = arith.constant 0 : i32
    return %c0_i32, %c0_i32_0 : i32, i32
  }
  func.func @transform_4(%arg0: i32) -> (i32, i32) {
    %c0_i32 = arith.constant 0 : i32
    %c0_i32_0 = arith.constant 0 : i32
    %c0_i32_1 = arith.constant 0 : i32
    return %c0_i32, %c0_i32_0 : i32, i32
  }
  func.func @transform_5(%arg0: i32) -> (i32, i32) {
    %c0_i32 = arith.constant 0 : i32
    %c0_i32_0 = arith.constant 0 : i32
    %c0_i32_1 = arith.constant 0 : i32
    return %c0_i32, %c0_i32_0 : i32, i32
  }
  func.func @transform_6(%arg0: i32) -> (i32, i32) {
    %c0_i32 = arith.constant 0 : i32
    %c0_i32_0 = arith.constant 0 : i32
    return %arg0, %c0_i32 : i32, i32
  }
}

</mosaic_0001>

<sc_bundles>
// kernel: kernel.11.cloned.1.call-start
scs
__scs_entry_jumppad:
0x0: {  	(pc) =	sbr.rel $0x88, $3  }
0x1: {  	(tag) =	ssettag $0x0;
	lr =	simm.s32 $0x1  }
0x2: {  	[smem:$0x3F99] =	sst lr;
	_ =	strace $0xD0000000  }
0x3: {  	_ = 	snop  }
0x4: {  	_ = 	snop  }
0x5: {  	_ = 	snop  }
0x6: {  	_ = 	snop  }
0x7: {  	_ = 	snop  }
__scs_overlays_trampoline_lowered:
0x8: {  	[smem:$0x3FA8] =	sst s0  }
0x9: {  	[smem:$0x3FA9] =	sst s1  }
0xa: {  	[smem:$0x3FAA] =	sst s2  }
0xb: {  	[smem:$0x3FAB] =	sst s3  }
0xc: {  	[smem:$0x3FAC] =	sst s4  }
0xd: {  	[smem:$0x3FAD] =	sst s5  }
0xe: {  	[smem:$0x3FAE] =	sst s6  }
0xf: {  	[smem:$0x3FAF] =	sst s7  }
0x10: {  	[smem:$0x3FB0] =	sst s8  }
0x11: {  	[smem:$0x3FB1] =	sst s9;
	s0 =	simm.s32 @!p0 $0x0  }
0x12: {  	s1 =	sld [smem:$0x3F97];
	s0 =	simm.s32 @p0 $0x1  }
0x13: {  	[smem:$0x3FB2] =	sst s0;
	s0 =	simm.s32 @!p1 $0x0  }
0x14: {  	s2 =	sld [smem:$0x3F96];
	s0 =	simm.s32 @p1 $0x1  }
0x15: {  	[smem:$0x3FB3] =	sst s0;
	s0 =	simm.s32 @!p2 $0x0  }
0x16: {  	s3 =	sld [smem:$0x3FDB];
	s0 =	simm.s32 @p2 $0x1  }
0x17: {  	s4 =	simm.s32 $0x1BF5;
	[smem:$0x3FB5] =	sst s0  }
0x18: {  	s0 =	sld [smem:$0x3F98];
	_ =	swait.ge [sflag:s4], $0x0  }
0x19: {  	s7 =	sld [smem:$0x3F99]  }
0x1a: {  	s8 =	sadd.s32 $0xFFFFE003, lr  }
0x1b: {  	s9 =	sadd.s32 $0xFFFFFEF7, lr;
	s5 =	simm.s32 $0xFFFFFFFF;
	p2 =	slt.u32 s8, $0xFFFFF086  }
0x1c: {  	p1 =	slt.u32 s9, $0xF7A;
	s5 =	simm.s32 @!p2 $0x0  }
0x1d: {  	s5 =	simm.s32 @p1 $0x1;
	p0 =	seq.s32 s7, s2  }
0x1e: {  	s7 =	smul.u32 @!p0 $0xF7A, s2;
	p2 =	seq.s32 @!p0 s5, $0x0  }
0x1f: {  	s9 =	smul.u32 $0xF7A, s1;
	s8 =	simm.s32 @!p0 $0x1BF5;
	p2 =	por !p2, p0  }
0x20: {  	[sflag:s8] =	ssyncset.s32 @!p0 $0xFFFFF086;
	s6 =	sadd.s32 @!p0 s3, s7;
	s7 =	simm.s32 @!p0 $0x108  }
0x21: {  	s3 =	sadd.s32 s3, s9;
	s6 =	sadd.s32 @!p0 $0x88, s6;
	s7 =	simm.s32 @p2 $0x1082  }
0x22: {  	[simem:s7], [sflag:s8] =	dma.local @!p0 [hbm:s6], $0xF7A  }
0x23: {  	s9 =	sor.u32 $0xD0000000, s2;
	s6 =	simm.s32 $0x108;
	_ =	swait.ge @!p0 [sflag:s8], $0x0  }
0x24: {  	s3 =	sadd.s32 $0x88, s3;
	s6 =	simm.s32 @!p1 $0x1082;
	[sflag:s4] =	ssyncset.s32 $0xFFFFF086  }
0x25: {  	[simem:s6], [sflag:s4] =	dma.local [hbm:s3], $0xF7A  }
0x26: {  	[smem:$0x3F99] =	sst s1;
	(tag) =	ssettag s2;
	_ =	strace s9  }
0x27: {  	s1 =	sld [smem:$0x3FA9]  }
0x28: {  	s2 =	sld [smem:$0x3FAA]  }
0x29: {  	s4 =	sld [smem:$0x3FAC]  }
0x2a: {  	p0 =	seq.s32 s5, $0x0;
	s5 =	sld [smem:$0x3FAD]  }
0x2b: {  	s6 =	sld [smem:$0x3FAE]  }
0x2c: {  	s7 =	sld [smem:$0x3FAF]  }
0x2d: {  	s3 =	simm.s32 $0x108;
	s8 =	sld [smem:$0x3FB0]  }
0x2e: {  	s3 =	simm.s32 @!p0 $0x1082;
	s9 =	sld [smem:$0x3FB1]  }
0x2f: {  	lr =	sadd.s32 s0, s3;
	s0 =	sld [smem:$0x3FA8]  }
0x30: {  	s3 =	sld [smem:$0x3FAB]  }
0x31: {  	[smem:$0x3FB4] =	sst s10  }
0x32: {  	s10 =	sld [smem:$0x3FB2];
	_ =	sdelay $0x3  }
0x33: {  	p0 =	seq.s32 s10, $0x1;
	s10 =	sld [smem:$0x3FB4];
	_ =	sdelay $0x3  }
0x34: {  	[smem:$0x3FB4] =	sst s10  }
0x35: {  	s10 =	sld [smem:$0x3FB3];
	_ =	sdelay $0x3  }
0x36: {  	p1 =	seq.s32 s10, $0x1;
	s10 =	sld [smem:$0x3FB4];
	_ =	sdelay $0x3  }
0x37: {  	[smem:$0x3FB4] =	sst s10  }
0x38: {  	s10 =	sld [smem:$0x3FB5]  }
0x39: {  	_ = 	snop;
	(pc) =	sbr.ind lr, $3  }
0x3a: {  	_ = 	snop  }
0x3b: {  	_ = 	snop  }
0x3c: {  	p2 =	seq.s32 s10, $0x1;
	s10 =	sld [smem:$0x3FB4]  }
0x3d: {  	_ =	shalt  }
0x3e: {  	_ =	shalt  }
0x3f: {  	_ =	shalt  }
0x40: {  	_ =	shalt  }
0x41: {  	_ =	shalt  }
0x42: {  	_ =	shalt  }
0x43: {  	_ =	shalt  }
0x44: {  	_ =	shalt  }
0x45: {  	_ =	shalt  }
0x46: {  	_ =	shalt  }
0x47: {  	_ =	shalt  }
0x48: {  	_ =	shalt  }
0x49: {  	_ =	shalt  }
0x4a: {  	_ =	shalt  }
0x4b: {  	_ =	shalt  }
0x4c: {  	_ =	shalt  }
0x4d: {  	_ =	shalt  }
0x4e: {  	_ =	shalt  }
0x4f: {  	_ =	shalt  }
0x50: {  	_ =	shalt  }
0x51: {  	_ =	shalt  }
0x52: {  	_ =	shalt  }
0x53: {  	_ =	shalt  }
0x54: {  	_ =	shalt  }
0x55: {  	_ =	shalt  }
0x56: {  	_ =	shalt  }
0x57: {  	_ =	shalt  }
0x58: {  	_ =	shalt  }
0x59: {  	_ =	shalt  }
0x5a: {  	_ =	shalt  }
0x5b: {  	_ =	shalt  }
0x5c: {  	_ =	shalt  }
0x5d: {  	_ =	shalt  }
0x5e: {  	_ =	shalt  }
0x5f: {  	_ =	shalt  }
0x60: {  	_ =	shalt  }
0x61: {  	_ =	shalt  }
0x62: {  	_ =	shalt  }
0x63: {  	_ =	shalt  }
0x64: {  	_ =	shalt  }
0x65: {  	_ =	shalt  }
0x66: {  	_ =	shalt  }
0x67: {  	_ =	shalt  }
0x68: {  	_ =	shalt  }
0x69: {  	_ =	shalt  }
0x6a: {  	_ =	shalt  }
0x6b: {  	_ =	shalt  }
0x6c: {  	_ =	shalt  }
0x6d: {  	_ =	shalt  }
0x6e: {  	_ =	shalt  }
0x6f: {  	_ =	shalt  }
0x70: {  	_ =	shalt  }
0x71: {  	_ =	shalt  }
0x72: {  	_ =	shalt  }
0x73: {  	_ =	shalt  }
0x74: {  	_ =	shalt  }
0x75: {  	_ =	shalt  }
0x76: {  	_ =	shalt  }
0x77: {  	_ =	shalt  }
0x78: {  	_ =	shalt  }
0x79: {  	_ =	shalt  }
0x7a: {  	_ =	shalt  }
0x7b: {  	_ =	shalt  }
0x7c: {  	_ =	shalt  }
0x7d: {  	_ =	shalt  }
0x7e: {  	_ =	shalt  }
0x7f: {  	_ =	shalt  }
0x80: {  	_ =	shalt  }
0x81: {  	_ =	shalt  }
0x82: {  	_ =	shalt  }
0x83: {  	_ =	shalt  }
0x84: {  	_ =	shalt  }
0x85: {  	_ =	shalt  }
0x86: {  	_ =	shalt  }
0x87: {  	_ =	shalt  }
.Lfunc_end0:
.L_simem_size_0:
called_computation.1_lowered:
.L_overlay_start_0:
0x88: {  	s2 =	sld [smem:$0x3FD9]  }
0x89: {  	s3 =	sld [smem:$0x3FFE];
	_ =	sdelay $0x1  }
0x8a: {  	s1 =	srdreg.scid  }
0x8b: {  	s0 =	sand.u32 $0x1, s1  }
0x8c: {  	s16 =	sshll.u32 s0, $0xA;
	s2 =	sadd.s32 s3, s2  }
0x8d: {  	s2 =	sadd.s32 s2, s16  }
0x8e: {  	[smem:$0x3FC0] =	sst s2  }
0x8f: {  	_ = 	snop  }
0x90: {  	(tm) =	ssettm $0x1  }
0x91: {  	s17 =	sld [smem:$0x3FFB];
	_ =	sdelay $0x3  }
0x92: {  	_ =	strace s17  }
0x93: {  	s2 =	sld [smem:$0x3FFC];
	_ =	sdelay $0x3  }
0x94: {  	_ =	strace s2  }
0x95: {  	s2 =	sld [smem:$0x3FFD];
	_ =	sdelay $0x3  }
0x96: {  	_ =	strace s2  }
0x97: {  	_ =	strace $0x8FFFFFFF  }
0x98: {  	s18 =	sld [smem:$0x3FDB];
	_ =	sdelay $0x1  }
0x99: {  	s19 =	simm.s32 $_scs_section_size  }
0x9a: {  	s4 =	simm.s32 $_size__tile_overlayer_lowered;
	s5 =	simm.s32 $_tile_overlayer_lowered  }
0x9b: {  	s22 =	simm.s32 $0x1BFF;
	s21 =	sshll.u32 s5, $0x1;
	s2 =	sadd.s32 s19, s18  }
0x9c: {  	s6 =	simm.s32 $0x0;
	s20 =	sshll.u32 s4, $0x1;
	s4 =	sadd.s32 s21, s2  }
0x9d: {  	[timem:s6], [sflag:s22] =	dma.local [hbm:s4], s20  }
0x9e: {  	_ =	swait.ge [sflag:s22], s20  }
0x9f: {  	s3 =	ssub.s32 $0x0, s20;
	[sflag:s22] =	ssyncset.done $0x0  }
0xa0: {  	[sflag:s22] =	ssyncadd.s32 s3;
	_ =	sdelay $0x1  }
0xa1: {  	s23 =	simm.s32 $0x1B8B  }
0xa2: {  	_ =	swait.ge [sflag:s23], $0x1  }
0xa3: {  	[sflag:s23] =	ssyncset.done $0x0  }
0xa4: {  	s25 =	simm.s32 $0x1B8E;
	s24 =	sld [smem:$0x3FFE];
	[sflag:s23] =	ssyncadd.s32 $0xFFFFFFFF  }
0xa5: {  	s26 =	simm.s32 $execute0_lowered;
	[smem:$0x3FD2] =	sst s25  }
0xa6: {  	s4 =	sshll.u32 s26, $0x1;
	_ =	strace $0x80000049;
	[dreg:$0x1] =	wrdreg $0xFFFFFFFF  }
0xa7: {  	s28 =	simm.s32 $_size_execute0_lowered;
	s2 =	sadd.s32 s2, s4;
	[dreg:$0x0] =	wrdreg $0x0  }
0xa8: {  	s4 =	sshll.u32 s28, $0x1;
	[dreg:$0x2] =	wrdreg s2  }
0xa9: {  	[dreg:$0x3] =	wrdreg s4  }
0xaa: {  	[dreg:$0x4] =	wrdreg $0xC0  }
0xab: {  	_ =	task [dreg:s6], $0x5FFFF  }
0xac: {  	[dreg:$0x1] =	wrdreg $0xFFFFFFFF  }
0xad: {  	[dreg:$0x0] =	wrdreg $0x60  }
0xae: {  	[dreg:$0x2] =	wrdreg s24  }
0xaf: {  	[dreg:$0x3] =	wrdreg $0x68000  }
0xb0: {  	[dreg:$0x4] =	wrdreg $0x9  }
0xb1: {  	_ =	task.clear_ibuf [dreg:s6], $0x5FFFF;
	_ =	strace $0x90000049  }
0xb2: {  	s29 =	simm.s32 $0x9;
	_ =	strace $0x8000004B  }
0xb3: {  	_ =	swait.ge [sflag:s29], $0x1  }
0xb4: {  	[sflag:s29] =	ssyncadd.s32 $0xFFFFFFFF  }
0xb5: {  	_ =	strace $0x9000004B  }
0xb6: {  	_ =	sfence  }
0xb7: {  	s30 =	sld [smem:$0x0];
	_ =	sdelay $0x2  }
0xb8: {  	s31 =	sshll.u32 s1, $0xD;
	s1 =	sshrl.u32 s1, $0x2  }
0xb9: {  	s3 =	sand.u32 $0x4000, s31;
	s1 =	sadd.s32 s1, s30  }
0xba: {  	s0 =	sor.u32 s3, s0;
	s1 =	sshll.u32 s1, $0x11  }
0xbb: {  	s0 =	sor.u32 s1, s0  }
0xbc: {  	s0 =	sadd.s32 $0x8F2B, s0  }
0xbd: {  	[sflag:s0] =	ssyncadd.remote.s32 $0x1  }
0xbe: {  	_ =	sfence.sel $0xFFFF  }
0xbf: {  	[dreg:$0x0] =	wrdreg $0xFFFFFFFF;
	(pc) =	sbr.abs _section_cstart, $3  }
0xc0: {  	[dreg:$0x1] =	wrdreg $0xFFFFFFFF  }
0xc1: {  	_ =	task.clear_ibuf [dreg:s6], $0x2FFFF;
	_ =	strace $0x9FFFFFFF  }
0xc2: {  	(tm) =	ssettm $0x7FFFFFFF  }
0xc3: {  	_ =	shalt  }
tec
execute0_lowered:
.L_overlay_start_1:
0x0: {  	(tag) =	ssettag $0x1  }
0x1: {  	s5 =	rddreg [dreg:$0x0]  }
0x2: {  	s1 =	rddreg [dreg:$0x1]  }
0x3: {  	s2 =	srdreg.scid;
	s0 =	rddreg [dreg:$0x2];
	s3 =	simm.s32 $0x0  }
0x4: {  	s17 =	simm.s32 $0x2;
	s18 =	simm.s32 $0x1400;
	s19 =	simm.s32 $0x80  }
0x5: {  	s20 =	simm.s32 $0x1;
	s6 =	sand.u32 $0x1, s2;
	s2 =	stileid.u32  }
0x6: {  	[smem:$0x7FF] =	sst s3;
	s12 =	sadd.s32 $0x2A00, s5;
	s4 =	smul.u32 $0x13C000, s6  }
0x7: {  	s13 =	sadd.s32 $0xCA00, s5;
	s7 =	smul.u32 $0x13C00, s2;
	_ =	strace $0x8000004A  }
0x8: {  	s8 =	smul.u32 $0x4F000, s2;
	s29 =	ssub.s32 $0x2, s6;
	s6 =	sshll.u32 s6, $0x4  }
0x9: {  	s30 =	sshrl.u32 s29, $0x1;
	s9 =	sor.u32 s2, s6;
	s7 =	sadd.s32 s7, s4  }
0xa: {  	s4 =	sadd.s32 $0x16A00, s5;
	s31 =	sshrl.u32 s8, $0x2;
	s10 =	smul.u32 $0x2800, s9  }
0xb: {  	s15 =	ssub.s32 s29, s30;
	s11 =	smul.u32 $0x500, s9;
	s7 =	sshrl.u32 s7, $0x3  }
0xc: {  	s15 =	smax.u32 s15, $0x1;
	s14 =	sadd.s32 s7, s5;
	s5 =	sadd.s32 s31, s1  }
0xd: {  	s16 =	sshrl.u32 s10, $0x3;
	s10 =	sadd.s32 s12, s11;
	s11 =	sadd.s32 s13, s11  }
0xe: {  	s6 =	sadd.s32 $0x4000, s5;
	s7 =	sadd.s32 $0x8000, s5;
	s8 =	sadd.s32 $0xC000, s5  }
0xf: {  	s9 =	sadd.s32 $0x10000, s5;
	s16 =	sadd.s32 $0x280, s16;
	s14 =	sadd.s32 $0x3DC00, s14  }
0x10: {  	v0 =	vimm.f32 $0.0e+00;
	s12 =	sadd.s32 s12, s16;
	s13 =	sadd.s32 s13, s16;
	s16 =	simm.s32 $0x2800  }
.LBB2_1:
0x11: {  	s21 =	simm.s32 $0x0;
	s22 =	simm.s32 $0x200  }
.LBB2_2:
0x12: {  	p0 =	sne.s32 s22, $0xFE00;
	[tilespmem:s21+$0x2870] =	vst v0  }
0x13: {  	[tilespmem:s21+$0x2800] =	vst v0  }
0x14: {  	[tilespmem:s21+$0x2810] =	vst v0  }
.Ltmp0:
0x15: {  	[tilespmem:s21+$0x2820] =	vst v0;
	(pc) =	sbr.rel @p0 .LBB2_2-.Ltmp0, $4  }
0x16: {  	[tilespmem:s21+$0x2830] =	vst v0  }
0x17: {  	[tilespmem:s21+$0x2840] =	vst v0  }
0x18: {  	[tilespmem:s21+$0x2850] =	vst v0  }
0x19: {  	[tilespmem:s21+$0x2860] =	vst v0;
	s21 =	sshra.s32 s22, $0x2;
	s22 =	sadd.s32 $0x200, s22  }
0x1a: {  	[tilespmem:s21+$0x2870] =	vst v0  }
0x1b: {  	[tilespmem:s21+$0x2800] =	vst v0  }
0x1c: {  	[tilespmem:s21+$0x2810] =	vst v0  }
0x1d: {  	[tilespmem:s21+$0x2820] =	vst v0  }
0x1e: {  	[tilespmem:s21+$0x2830] =	vst v0  }
0x1f: {  	[tilespmem:s21+$0x2840] =	vst v0  }
0x20: {  	[tilespmem:s21+$0x2850] =	vst v0  }
0x21: {  	[tilespmem:s21+$0x2860] =	vst v0  }
0x22: {  	[spmem:s5] =	stream.linear.scatter [tilespmem:s16], [sflag:$0x2], $0x4000, $0x38;
	[tilespmem:$0x1A400] =	vst v63  }
0x23: {  	_ =	swait.ge [sflag:s17], $0x4000  }
0x24: {  	[sflag:s17] =	ssyncset.done $0x0  }
0x25: {  	[sflag:s17] =	ssyncadd.s32 $0xFFFFC000  }
0x26: {  	[spmem:s6] =	stream.linear.scatter [tilespmem:s16], [sflag:$0x2], $0x4000, $0x38;
	[tilespmem:$0x1A400] =	vst v63  }
0x27: {  	_ =	swait.ge [sflag:s17], $0x4000  }
0x28: {  	[sflag:s17] =	ssyncset.done $0x0  }
0x29: {  	[sflag:s17] =	ssyncadd.s32 $0xFFFFC000  }
0x2a: {  	[spmem:s7] =	stream.linear.scatter [tilespmem:s16], [sflag:$0x2], $0x4000, $0x38;
	[tilespmem:$0x1A400] =	vst v63  }
0x2b: {  	_ =	swait.ge [sflag:s17], $0x4000  }
0x2c: {  	[sflag:s17] =	ssyncset.done $0x0  }
0x2d: {  	[sflag:s17] =	ssyncadd.s32 $0xFFFFC000  }
0x2e: {  	[spmem:s8] =	stream.linear.scatter [tilespmem:s16], [sflag:$0x2], $0x4000, $0x38;
	[tilespmem:$0x1A400] =	vst v63  }
0x2f: {  	_ =	swait.ge [sflag:s17], $0x4000  }
0x30: {  	[sflag:s17] =	ssyncset.done $0x0  }
0x31: {  	[sflag:s17] =	ssyncadd.s32 $0xFFFFC000  }
0x32: {  	[spmem:s9] =	stream.linear.scatter [tilespmem:s16], [sflag:$0x2], $0x3C00, $0x38;
	[tilespmem:$0x1A400] =	vst v63  }
0x33: {  	_ =	swait.ge [sflag:s17], $0x3C00  }
0x34: {  	[sflag:s17] =	ssyncset.done $0x0  }
0x35: {  	[sflag:s17] =	ssyncadd.s32 $0xFFFFC400  }
0x36: {  	s29 =	simm.s32 $0x0;
	[bflag:$0x0] =	sbarrier.arrive $0xFFFF  }
0x37: {  	[tilespmem:s29], [sflag:$0x2] =	stream.linear.gather [hbm4b:s10+s29], $0x1400, $0x38;
	[tilespmem:$0x1A400] =	vst v63  }
0x38: {  	_ =	swait.ge [sflag:s17], $0x1400  }
0x39: {  	[sflag:s17] =	ssyncset.done $0x0  }
0x3a: {  	[sflag:s17] =	ssyncadd.s32 $0xFFFFEC00  }
0x3b: {  	[tilespmem:s18], [sflag:$0x2] =	stream.linear.gather [hbm4b:s11+s29], $0x1400, $0x38;
	[tilespmem:$0x1A400] =	vst v63  }
0x3c: {  	_ =	swait.ge [sflag:s17], $0x1400  }
0x3d: {  	[sflag:s17] =	ssyncset.done $0x0  }
0x3e: {  	s30 =	simm.s32 $0x0;
	[sflag:s17] =	ssyncadd.s32 $0xFFFFEC00  }
0x3f: {  	[tilespmem:s16], [sflag:$0x1] =	stream.indirect.gather [hbm4b:s4+s19], $0x80, s30, s19, $0xb8;
	[tilespmem:$0x1A400] =	vst v63  }
0x40: {  	_ =	swait.ge [sflag:s20], $0x4000  }
0x41: {  	[sflag:s20] =	ssyncset.done $0x0  }
0x42: {  	s31 =	simm.s32 $0x1400;
	[sflag:s20] =	ssyncadd.s32 $0xFFFFC000  }
0x43: {  	[spmem:s1] =	stream.indirect.scatter.add.f32 [tilespmem:s16], [sflag:$0x2], $0x80, s31, s19, $0xb8;
	[tilespmem:$0x1A400] =	vst v63  }
0x44: {  	_ =	swait.ge [sflag:s17], $0x4000  }
0x45: {  	s21 =	simm.s32 $0x200;
	s22 =	simm.s32 $0x400;
	[sflag:s17] =	ssyncset.done $0x0  }
.LBB2_4:
0x46: {  	s23 =	sshra.s32 s21, $0x2  }
0x47: {  	[sflag:s17] =	ssyncadd.s32 $0xFFFFC000;
	s21 =	smov.u32 s22;
	s24 =	sadd.s32 $0x200, s22  }
0x48: {  	[tilespmem:s16], [sflag:$0x1] =	stream.indirect.gather [hbm4b:s4+s19], $0x80, s23, s19, $0xb8;
	[tilespmem:$0x1A400] =	vst v63  }
0x49: {  	p0 =	sne.s32 s22, $0x4E00;
	_ =	swait.ge [sflag:s20], $0x4000  }
.Ltmp1:
0x4a: {  	[sflag:s20] =	ssyncset.done $0x0;
	(pc) =	sbr.rel @p0 .LBB2_4-.Ltmp1, $4  }
0x4b: {  	s22 =	sadd.s32 $0x1400, s23;
	[sflag:s20] =	ssyncadd.s32 $0xFFFFC000  }
0x4c: {  	[spmem:s1] =	stream.indirect.scatter.add.f32 [tilespmem:s16], [sflag:$0x2], $0x80, s22, s19, $0xb8;
	[tilespmem:$0x1A400] =	vst v63  }
0x4d: {  	_ =	swait.ge [sflag:s17], $0x4000  }
0x4e: {  	s22 =	smov.u32 s24;
	[sflag:s17] =	ssyncset.done $0x0  }
0x4f: {  	s21 =	sshra.s32 s21, $0x2;
	[sflag:s17] =	ssyncadd.s32 $0xFFFFC000  }
0x50: {  	[tilespmem:s16], [sflag:$0x1] =	stream.indirect.gather [hbm4b:s4+s19], $0x80, s21, s19, $0xb8;
	[tilespmem:$0x1A400] =	vst v63  }
0x51: {  	_ =	swait.ge [sflag:s20], $0x4000  }
0x52: {  	[sflag:s20] =	ssyncset.done $0x0  }
0x53: {  	s21 =	sadd.s32 $0x1400, s21;
	[sflag:s20] =	ssyncadd.s32 $0xFFFFC000  }
0x54: {  	[spmem:s1] =	stream.indirect.scatter.add.f32 [tilespmem:s16], [sflag:$0x2], $0x80, s21, s19, $0xb8;
	[tilespmem:$0x1A400] =	vst v63  }
0x55: {  	_ =	swait.ge [sflag:s17], $0x4000  }
0x56: {  	[sflag:s17] =	ssyncset.done $0x0  }
0x57: {  	s29 =	simm.s32 $0x0;
	[sflag:s17] =	ssyncadd.s32 $0xFFFFC000  }
0x58: {  	[tilespmem:s29], [sflag:$0x2] =	stream.linear.gather [hbm4b:s12+s29], $0x1400, $0x38;
	[tilespmem:$0x1A400] =	vst v63  }
0x59: {  	_ =	swait.ge [sflag:s17], $0x1400  }
0x5a: {  	[sflag:s17] =	ssyncset.done $0x0  }
0x5b: {  	[sflag:s17] =	ssyncadd.s32 $0xFFFFEC00  }
0x5c: {  	[tilespmem:s18], [sflag:$0x2] =	stream.linear.gather [hbm4b:s13+s29], $0x1400, $0x38;
	[tilespmem:$0x1A400] =	vst v63  }
0x5d: {  	_ =	swait.ge [sflag:s17], $0x1400  }
0x5e: {  	[sflag:s17] =	ssyncset.done $0x0  }
0x5f: {  	s30 =	simm.s32 $0x0;
	[sflag:s17] =	ssyncadd.s32 $0xFFFFEC00  }
0x60: {  	[tilespmem:s16], [sflag:$0x1] =	stream.indirect.gather [hbm4b:s4+s19], $0x80, s30, s19, $0xb8;
	[tilespmem:$0x1A400] =	vst v63  }
0x61: {  	_ =	swait.ge [sflag:s20], $0x4000  }
0x62: {  	[sflag:s20] =	ssyncset.done $0x0  }
0x63: {  	s31 =	simm.s32 $0x1400;
	[sflag:s20] =	ssyncadd.s32 $0xFFFFC000  }
0x64: {  	[spmem:s1] =	stream.indirect.scatter.add.f32 [tilespmem:s16], [sflag:$0x2], $0x80, s31, s19, $0xb8;
	[tilespmem:$0x1A400] =	vst v63  }
0x65: {  	_ =	swait.ge [sflag:s17], $0x4000  }
0x66: {  	s22 =	simm.s32 $0x400;
	s21 =	simm.s32 $0x200;
	[sflag:s17] =	ssyncset.done $0x0  }
.LBB2_6:
0x67: {  	s23 =	sshra.s32 s21, $0x2  }
0x68: {  	[sflag:s17] =	ssyncadd.s32 $0xFFFFC000;
	s21 =	smov.u32 s22;
	s24 =	sadd.s32 $0x200, s22  }
0x69: {  	[tilespmem:s16], [sflag:$0x1] =	stream.indirect.gather [hbm4b:s4+s19], $0x80, s23, s19, $0xb8;
	[tilespmem:$0x1A400] =	vst v63  }
0x6a: {  	p0 =	sne.s32 s22, $0x4E00;
	_ =	swait.ge [sflag:s20], $0x4000  }
.Ltmp2:
0x6b: {  	[sflag:s20] =	ssyncset.done $0x0;
	(pc) =	sbr.rel @p0 .LBB2_6-.Ltmp2, $4  }
0x6c: {  	s22 =	sadd.s32 $0x1400, s23;
	[sflag:s20] =	ssyncadd.s32 $0xFFFFC000  }
0x6d: {  	[spmem:s1] =	stream.indirect.scatter.add.f32 [tilespmem:s16], [sflag:$0x2], $0x80, s22, s19, $0xb8;
	[tilespmem:$0x1A400] =	vst v63  }
0x6e: {  	_ =	swait.ge [sflag:s17], $0x4000  }
0x6f: {  	s22 =	smov.u32 s24;
	[sflag:s17] =	ssyncset.done $0x0  }
0x70: {  	s21 =	sshra.s32 s21, $0x2;
	[sflag:s17] =	ssyncadd.s32 $0xFFFFC000  }
0x71: {  	[tilespmem:s16], [sflag:$0x1] =	stream.indirect.gather [hbm4b:s4+s19], $0x80, s21, s19, $0xb8;
	[tilespmem:$0x1A400] =	vst v63  }
0x72: {  	_ =	swait.ge [sflag:s20], $0x4000  }
0x73: {  	[sflag:s20] =	ssyncset.done $0x0  }
0x74: {  	s21 =	sadd.s32 $0x1400, s21;
	[sflag:s20] =	ssyncadd.s32 $0xFFFFC000  }
0x75: {  	[spmem:s1] =	stream.indirect.scatter.add.f32 [tilespmem:s16], [sflag:$0x2], $0x80, s21, s19, $0xb8;
	[tilespmem:$0x1A400] =	vst v63  }
0x76: {  	_ =	swait.ge [sflag:s17], $0x4000  }
0x77: {  	s31 =	sshll.u32 s2, $0x6;
	s3 =	sadd.s32 $0x1, s3;
	[sflag:s17] =	ssyncset.done $0x0  }
0x78: {  	s22 =	sshrl.u32 s5, $0x3;
	p0 =	sne.s32 s3, s15;
	[sflag:s17] =	ssyncadd.s32 $0xFFFFC000  }
.Ltmp3:
0x79: {  	s21 =	sor.u32 $0x1C02, s31;
	[bflag:$0x0] =	sbarrier.arrive $0xFFFF;
	(pc) =	sbr.rel @p0 .LBB2_1-.Ltmp3, $4  }
0x7a: {  	[hbm:s14], [sflag:s21] =	dma.local [spmem:s22], $0x2780  }
0x7b: {  	_ =	swait.ge [sflag:s17], $0x2780  }
0x7c: {  	[sflag:s17] =	ssyncset.done $0x0  }
0x7d: {  	[sflag:s17] =	ssyncadd.s32 $0xFFFFD880  }
0x7e: {  	_ =	sfence.sel $0x180000  }
0x7f: {  	[bflag:$0x0] =	sbarrier.arrive $0xFFFF  }
0x80: {  	p0 =	sne.s32 s2, $0x0;
	_ =	strace $0x9000004A  }
0x81: {  	s0 =	sadd.s32 @!p0 $0x100000, s0;
	[bflag:$0x2] =	sbarrier.arrive $0xFFFF  }
0x82: {  	[sflag:s0] =	ssyncadd.tile.s32 @!p0 $0x1;
	_ =	shalt  }
.Lfunc_end2:
_tile_overlayer_lowered:
.L_overlay_start_2:
0x83: {  	(tag) =	ssettag $0x2  }
0x84: {  	s0 =	rddreg [dreg:$0x0];
	s2 =	stileid.u32  }
0x85: {  	s1 =	rddreg [dreg:$0x1];
	p0 =	sne.s32 s2, $0x0  }
0x86: {  	s3 =	rddreg [dreg:$0x2];
	[bflag:$0x3] =	sbarrier.arrive $0xFFFF;
	s2 =	simm.s32 @!p0 $0x1C02  }
0x87: {  	[timem:s3], [sflag:s2] =	dma.local @!p0 [hbm:s0], s1  }
0x88: {  	s0 =	simm.s32 @!p0 $0x2  }
0x89: {  	_ =	swait.ge @!p0 [sflag:s0], s1  }
0x8a: {  	s1 =	ssub.s32 @!p0 $0x0, s1;
	[sflag:s0] =	ssyncset.done @!p0 $0x0  }
0x8b: {  	[sflag:s0] =	ssyncadd.s32 @!p0 s1  }
0x8c: {  	[bflag:$0x3] =	sbarrier.arrive $0xFFFF  }
0x8d: {  	_ =	shalt  }

// kernel: kernel.14.cloned.1.call-start
scs
__scs_entry_jumppad:
0x0: {  	(pc) =	sbr.rel $0x88, $3  }
0x1: {  	(tag) =	ssettag $0x0;
	lr =	simm.s32 $0x1  }
0x2: {  	[smem:$0x3F99] =	sst lr;
	_ =	strace $0xD0000000  }
0x3: {  	_ = 	snop  }
0x4: {  	_ = 	snop  }
0x5: {  	_ = 	snop  }
0x6: {  	_ = 	snop  }
0x7: {  	_ = 	snop  }
__scs_overlays_trampoline_lowered:
0x8: {  	[smem:$0x3FA8] =	sst s0  }
0x9: {  	[smem:$0x3FA9] =	sst s1  }
0xa: {  	[smem:$0x3FAA] =	sst s2  }
0xb: {  	[smem:$0x3FAB] =	sst s3  }
0xc: {  	[smem:$0x3FAC] =	sst s4  }
0xd: {  	[smem:$0x3FAD] =	sst s5  }
0xe: {  	[smem:$0x3FAE] =	sst s6  }
0xf: {  	[smem:$0x3FAF] =	sst s7  }
0x10: {  	[smem:$0x3FB0] =	sst s8  }
0x11: {  	[smem:$0x3FB1] =	sst s9;
	s0 =	simm.s32 @!p0 $0x0  }
0x12: {  	s1 =	sld [smem:$0x3F97];
	s0 =	simm.s32 @p0 $0x1  }
0x13: {  	[smem:$0x3FB2] =	sst s0;
	s0 =	simm.s32 @!p1 $0x0  }
0x14: {  	s2 =	sld [smem:$0x3F96];
	s0 =	simm.s32 @p1 $0x1  }
0x15: {  	[smem:$0x3FB3] =	sst s0;
	s0 =	simm.s32 @!p2 $0x0  }
0x16: {  	s3 =	sld [smem:$0x3FDB];
	s0 =	simm.s32 @p2 $0x1  }
0x17: {  	s4 =	simm.s32 $0x1BF5;
	[smem:$0x3FB5] =	sst s0  }
0x18: {  	s0 =	sld [smem:$0x3F98];
	_ =	swait.ge [sflag:s4], $0x0  }
0x19: {  	s7 =	sld [smem:$0x3F99]  }
0x1a: {  	s8 =	sadd.s32 $0xFFFFE003, lr  }
0x1b: {  	s9 =	sadd.s32 $0xFFFFFEF7, lr;
	s5 =	simm.s32 $0xFFFFFFFF;
	p2 =	slt.u32 s8, $0xFFFFF086  }
0x1c: {  	p1 =	slt.u32 s9, $0xF7A;
	s5 =	simm.s32 @!p2 $0x0  }
0x1d: {  	s5 =	simm.s32 @p1 $0x1;
	p0 =	seq.s32 s7, s2  }
0x1e: {  	s7 =	smul.u32 @!p0 $0xF7A, s2;
	p2 =	seq.s32 @!p0 s5, $0x0  }
0x1f: {  	s9 =	smul.u32 $0xF7A, s1;
	s8 =	simm.s32 @!p0 $0x1BF5;
	p2 =	por !p2, p0  }
0x20: {  	[sflag:s8] =	ssyncset.s32 @!p0 $0xFFFFF086;
	s6 =	sadd.s32 @!p0 s3, s7;
	s7 =	simm.s32 @!p0 $0x108  }
0x21: {  	s3 =	sadd.s32 s3, s9;
	s6 =	sadd.s32 @!p0 $0x88, s6;
	s7 =	simm.s32 @p2 $0x1082  }
0x22: {  	[simem:s7], [sflag:s8] =	dma.local @!p0 [hbm:s6], $0xF7A  }
0x23: {  	s9 =	sor.u32 $0xD0000000, s2;
	s6 =	simm.s32 $0x108;
	_ =	swait.ge @!p0 [sflag:s8], $0x0  }
0x24: {  	s3 =	sadd.s32 $0x88, s3;
	s6 =	simm.s32 @!p1 $0x1082;
	[sflag:s4] =	ssyncset.s32 $0xFFFFF086  }
0x25: {  	[simem:s6], [sflag:s4] =	dma.local [hbm:s3], $0xF7A  }
0x26: {  	[smem:$0x3F99] =	sst s1;
	(tag) =	ssettag s2;
	_ =	strace s9  }
0x27: {  	s1 =	sld [smem:$0x3FA9]  }
0x28: {  	s2 =	sld [smem:$0x3FAA]  }
0x29: {  	s4 =	sld [smem:$0x3FAC]  }
0x2a: {  	p0 =	seq.s32 s5, $0x0;
	s5 =	sld [smem:$0x3FAD]  }
0x2b: {  	s6 =	sld [smem:$0x3FAE]  }
0x2c: {  	s7 =	sld [smem:$0x3FAF]  }
0x2d: {  	s3 =	simm.s32 $0x108;
	s8 =	sld [smem:$0x3FB0]  }
0x2e: {  	s3 =	simm.s32 @!p0 $0x1082;
	s9 =	sld [smem:$0x3FB1]  }
0x2f: {  	lr =	sadd.s32 s0, s3;
	s0 =	sld [smem:$0x3FA8]  }
0x30: {  	s3 =	sld [smem:$0x3FAB]  }
0x31: {  	[smem:$0x3FB4] =	sst s10  }
0x32: {  	s10 =	sld [smem:$0x3FB2];
	_ =	sdelay $0x3  }
0x33: {  	p0 =	seq.s32 s10, $0x1;
	s10 =	sld [smem:$0x3FB4];
	_ =	sdelay $0x3  }
0x34: {  	[smem:$0x3FB4] =	sst s10  }
0x35: {  	s10 =	sld [smem:$0x3FB3];
	_ =	sdelay $0x3  }
0x36: {  	p1 =	seq.s32 s10, $0x1;
	s10 =	sld [smem:$0x3FB4];
	_ =	sdelay $0x3  }
0x37: {  	[smem:$0x3FB4] =	sst s10  }
0x38: {  	s10 =	sld [smem:$0x3FB5]  }
0x39: {  	_ = 	snop;
	(pc) =	sbr.ind lr, $3  }
0x3a: {  	_ = 	snop  }
0x3b: {  	_ = 	snop  }
0x3c: {  	p2 =	seq.s32 s10, $0x1;
	s10 =	sld [smem:$0x3FB4]  }
0x3d: {  	_ =	shalt  }
0x3e: {  	_ =	shalt  }
0x3f: {  	_ =	shalt  }
0x40: {  	_ =	shalt  }
0x41: {  	_ =	shalt  }
0x42: {  	_ =	shalt  }
0x43: {  	_ =	shalt  }
0x44: {  	_ =	shalt  }
0x45: {  	_ =	shalt  }
0x46: {  	_ =	shalt  }
0x47: {  	_ =	shalt  }
0x48: {  	_ =	shalt  }
0x49: {  	_ =	shalt  }
0x4a: {  	_ =	shalt  }
0x4b: {  	_ =	shalt  }
0x4c: {  	_ =	shalt  }
0x4d: {  	_ =	shalt  }
0x4e: {  	_ =	shalt  }
0x4f: {  	_ =	shalt  }
0x50: {  	_ =	shalt  }
0x51: {  	_ =	shalt  }
0x52: {  	_ =	shalt  }
0x53: {  	_ =	shalt  }
0x54: {  	_ =	shalt  }
0x55: {  	_ =	shalt  }
0x56: {  	_ =	shalt  }
0x57: {  	_ =	shalt  }
0x58: {  	_ =	shalt  }
0x59: {  	_ =	shalt  }
0x5a: {  	_ =	shalt  }
0x5b: {  	_ =	shalt  }
0x5c: {  	_ =	shalt  }
0x5d: {  	_ =	shalt  }
0x5e: {  	_ =	shalt  }
0x5f: {  	_ =	shalt  }
0x60: {  	_ =	shalt  }
0x61: {  	_ =	shalt  }
0x62: {  	_ =	shalt  }
0x63: {  	_ =	shalt  }
0x64: {  	_ =	shalt  }
0x65: {  	_ =	shalt  }
0x66: {  	_ =	shalt  }
0x67: {  	_ =	shalt  }
0x68: {  	_ =	shalt  }
0x69: {  	_ =	shalt  }
0x6a: {  	_ =	shalt  }
0x6b: {  	_ =	shalt  }
0x6c: {  	_ =	shalt  }
0x6d: {  	_ =	shalt  }
0x6e: {  	_ =	shalt  }
0x6f: {  	_ =	shalt  }
0x70: {  	_ =	shalt  }
0x71: {  	_ =	shalt  }
0x72: {  	_ =	shalt  }
0x73: {  	_ =	shalt  }
0x74: {  	_ =	shalt  }
0x75: {  	_ =	shalt  }
0x76: {  	_ =	shalt  }
0x77: {  	_ =	shalt  }
0x78: {  	_ =	shalt  }
0x79: {  	_ =	shalt  }
0x7a: {  	_ =	shalt  }
0x7b: {  	_ =	shalt  }
0x7c: {  	_ =	shalt  }
0x7d: {  	_ =	shalt  }
0x7e: {  	_ =	shalt  }
0x7f: {  	_ =	shalt  }
0x80: {  	_ =	shalt  }
0x81: {  	_ =	shalt  }
0x82: {  	_ =	shalt  }
0x83: {  	_ =	shalt  }
0x84: {  	_ =	shalt  }
0x85: {  	_ =	shalt  }
0x86: {  	_ =	shalt  }
0x87: {  	_ =	shalt  }
.Lfunc_end0:
.L_simem_size_0:
called_computation.2_lowered:
.L_overlay_start_0:
0x88: {  	s2 =	sld [smem:$0x3FD9]  }
0x89: {  	s3 =	sld [smem:$0x3FFE];
	_ =	sdelay $0x1  }
0x8a: {  	s1 =	srdreg.scid  }
0x8b: {  	s0 =	sand.u32 $0x1, s1  }
0x8c: {  	s16 =	sshll.u32 s0, $0xA;
	s2 =	sadd.s32 s3, s2  }
0x8d: {  	s2 =	sadd.s32 s2, s16  }
0x8e: {  	[smem:$0x3FC0] =	sst s2  }
0x8f: {  	_ = 	snop  }
0x90: {  	(tm) =	ssettm $0x1  }
0x91: {  	s17 =	sld [smem:$0x3FFB];
	_ =	sdelay $0x3  }
0x92: {  	_ =	strace s17  }
0x93: {  	s2 =	sld [smem:$0x3FFC];
	_ =	sdelay $0x3  }
0x94: {  	_ =	strace s2  }
0x95: {  	s2 =	sld [smem:$0x3FFD];
	_ =	sdelay $0x3  }
0x96: {  	_ =	strace s2  }
0x97: {  	_ =	strace $0x8FFFFFFF  }
0x98: {  	s18 =	sld [smem:$0x3FDB];
	_ =	sdelay $0x1  }
0x99: {  	s19 =	simm.s32 $_scs_section_size  }
0x9a: {  	s4 =	simm.s32 $_size__tile_overlayer_lowered;
	s5 =	simm.s32 $_tile_overlayer_lowered  }
0x9b: {  	s22 =	simm.s32 $0x1BFF;
	s21 =	sshll.u32 s5, $0x1;
	s2 =	sadd.s32 s19, s18  }
0x9c: {  	s6 =	simm.s32 $0x0;
	s20 =	sshll.u32 s4, $0x1;
	s4 =	sadd.s32 s21, s2  }
0x9d: {  	[timem:s6], [sflag:s22] =	dma.local [hbm:s4], s20  }
0x9e: {  	_ =	swait.ge [sflag:s22], s20  }
0x9f: {  	s3 =	ssub.s32 $0x0, s20;
	[sflag:s22] =	ssyncset.done $0x0  }
0xa0: {  	[sflag:s22] =	ssyncadd.s32 s3;
	_ =	sdelay $0x1  }
0xa1: {  	s23 =	simm.s32 $0x1B8B  }
0xa2: {  	_ =	swait.ge [sflag:s23], $0x1  }
0xa3: {  	[sflag:s23] =	ssyncset.done $0x0  }
0xa4: {  	s25 =	simm.s32 $0x1B8E;
	s24 =	sld [smem:$0x3FFE];
	[sflag:s23] =	ssyncadd.s32 $0xFFFFFFFF  }
0xa5: {  	s26 =	simm.s32 $execute0_lowered;
	[smem:$0x3FD2] =	sst s25  }
0xa6: {  	s4 =	sshll.u32 s26, $0x1;
	_ =	strace $0x8000004C;
	[dreg:$0x1] =	wrdreg $0xFFFFFFFF  }
0xa7: {  	s28 =	simm.s32 $_size_execute0_lowered;
	s2 =	sadd.s32 s2, s4;
	[dreg:$0x0] =	wrdreg $0x0  }
0xa8: {  	s4 =	sshll.u32 s28, $0x1;
	[dreg:$0x2] =	wrdreg s2  }
0xa9: {  	[dreg:$0x3] =	wrdreg s4  }
0xaa: {  	[dreg:$0x4] =	wrdreg $0xC0  }
0xab: {  	_ =	task [dreg:s6], $0x5FFFF  }
0xac: {  	[dreg:$0x1] =	wrdreg $0xFFFFFFFF  }
0xad: {  	[dreg:$0x0] =	wrdreg $0x60  }
0xae: {  	[dreg:$0x2] =	wrdreg s24  }
0xaf: {  	[dreg:$0x3] =	wrdreg $0x68000  }
0xb0: {  	[dreg:$0x4] =	wrdreg $0x8F100  }
0xb1: {  	[dreg:$0x5] =	wrdreg $0x9  }
0xb2: {  	_ =	task.clear_ibuf [dreg:s6], $0x6FFFF;
	_ =	strace $0x9000004C  }
0xb3: {  	s29 =	simm.s32 $0x9;
	_ =	strace $0x8000004E  }
0xb4: {  	_ =	swait.ge [sflag:s29], $0x1  }
0xb5: {  	[sflag:s29] =	ssyncadd.s32 $0xFFFFFFFF  }
0xb6: {  	_ =	strace $0x9000004E  }
0xb7: {  	_ =	sfence  }
0xb8: {  	s30 =	sld [smem:$0x0];
	_ =	sdelay $0x2  }
0xb9: {  	s31 =	sshll.u32 s1, $0xD;
	s1 =	sshrl.u32 s1, $0x2  }
0xba: {  	s3 =	sand.u32 $0x4000, s31;
	s1 =	sadd.s32 s1, s30  }
0xbb: {  	s0 =	sor.u32 s3, s0;
	s1 =	sshll.u32 s1, $0x11  }
0xbc: {  	s0 =	sor.u32 s1, s0  }
0xbd: {  	s0 =	sadd.s32 $0x8F2B, s0  }
0xbe: {  	[sflag:s0] =	ssyncadd.remote.s32 $0x1  }
0xbf: {  	_ =	sfence.sel $0xFFFF  }
0xc0: {  	[dreg:$0x0] =	wrdreg $0xFFFFFFFF;
	(pc) =	sbr.abs _section_cstart, $3  }
0xc1: {  	[dreg:$0x1] =	wrdreg $0xFFFFFFFF  }
0xc2: {  	_ =	task.clear_ibuf [dreg:s6], $0x2FFFF;
	_ =	strace $0x9FFFFFFF  }
0xc3: {  	(tm) =	ssettm $0x7FFFFFFF  }
tec
execute0_lowered:
.L_overlay_start_1:
0x0: {  	(tag) =	ssettag $0x1  }
0x1: {  	s7 =	rddreg [dreg:$0x0]  }
0x2: {  	s1 =	rddreg [dreg:$0x1]  }
0x3: {  	s2 =	rddreg [dreg:$0x2];
	s3 =	srdreg.scid  }
0x4: {  	s0 =	rddreg [dreg:$0x3];
	s4 =	simm.s32 $0x0;
	s21 =	simm.s32 $0x2800  }
0x5: {  	s22 =	simm.s32 $0x2;
	s23 =	simm.s32 $0x1400;
	s24 =	simm.s32 $0x80  }
0x6: {  	s25 =	simm.s32 $0x1;
	s5 =	sand.u32 $0x1, s3;
	s3 =	stileid.u32  }
0x7: {  	[smem:$0x7FF] =	sst s4;
	s14 =	sadd.s32 $0x2A00, s7;
	s6 =	smul.u32 $0x13C000, s5  }
0x8: {  	s15 =	sadd.s32 $0xCA00, s7;
	s18 =	sadd.s32 $0x128400, s1;
	s8 =	smul.u32 $0x13C00, s3  }
0x9: {  	_ =	strace $0x8000004D;
	s9 =	smul.u32 $0x2780, s3;
	s28 =	ssub.s32 $0x2, s5  }
0xa: {  	s10 =	smul.u32 $0x4F000, s3;
	s5 =	sshll.u32 s5, $0x4;
	p0 =	seq.s32 s3, $0xF  }
0xb: {  	s29 =	sshrl.u32 s28, $0x1;
	s31 =	sor.u32 s3, s5;
	s18 =	sshrl.u32 @p0 s18, $0x3  }
0xc: {  	s6 =	sadd.s32 s8, s6;
	s9 =	sadd.s32 s9, s7;
	s11 =	smul.u32 $0x2800, s31  }
0xd: {  	s17 =	ssub.s32 s28, s29;
	s30 =	sshrl.u32 s10, $0x2;
	s13 =	smul.u32 $0x500, s31  }
0xe: {  	s6 =	sshrl.u32 s6, $0x3;
	s20 =	sadd.s32 s30, s1;
	s5 =	sadd.s32 $0x16A00, s9  }
0xf: {  	s17 =	smax.u32 s17, $0x1;
	s16 =	sadd.s32 s6, s7;
	s6 =	sadd.s32 s30, s2  }
0x10: {  	s7 =	sadd.s32 $0x3BA80, s7;
	s19 =	sshrl.u32 s11, $0x3;
	s12 =	sadd.s32 s14, s13  }
0x11: {  	s13 =	sadd.s32 s15, s13;
	s20 =	sshrl.u32 @!p0 s20, $0x3;
	s8 =	sadd.s32 $0x4000, s6  }
0x12: {  	s9 =	sadd.s32 $0x8000, s6;
	s10 =	sadd.s32 $0xC000, s6;
	s19 =	sadd.s32 $0x280, s19  }
0x13: {  	s14 =	sadd.s32 s14, s19;
	s15 =	sadd.s32 s15, s19;
	s19 =	sshll.u32 @!p0 s3, $0x6  }
0x14: {  	v0 =	vimm.f32 $0.0e+00;
	s11 =	sadd.s32 $0x10000, s6;
	s16 =	sadd.s32 $0x3DC00, s16;
	s19 =	sor.u32 @!p0 $0x1C02, s19  }
.LBB2_1:
0x15: {  	s26 =	simm.s32 @p0 $0x1FC2  }
0x16: {  	[spmem:s18], [sflag:s26] =	dma.local @p0 [hbm:s7], $0x2080  }
0x17: {  	s26 =	simm.s32 @p0 $0x2  }
0x18: {  	_ =	swait.ge @p0 [sflag:s26], $0x2080  }
0x19: {  	[sflag:s26] =	ssyncset.done @p0 $0x0  }
0x1a: {  	[sflag:s26] =	ssyncadd.s32 @p0 $0xFFFFDF80;
	s26 =	simm.s32 @!p0 $0x2  }
0x1b: {  	[spmem:s20], [sflag:s19] =	dma.local @!p0 [hbm:s5], $0x2780  }
0x1c: {  	_ =	swait.ge @!p0 [sflag:s26], $0x2780  }
0x1d: {  	[sflag:s26] =	ssyncset.done @!p0 $0x0  }
0x1e: {  	s28 =	simm.s32 $0x0;
	[sflag:s26] =	ssyncadd.s32 @!p0 $0xFFFFD880;
	s26 =	simm.s32 $0x200  }
.LBB2_2:
0x1f: {  	p1 =	sne.s32 s26, $0xFE00;
	[tilespmem:s28+$0x2800] =	vst v0;
	s28 =	smov.u32 s26;
	s26 =	sadd.s32 $0x200, s26  }
.Ltmp0:
0x20: {  	(pc) =	sbr.rel @p1 .LBB2_2-.Ltmp0, $2  }
0x21: {  	_ =	sdelay $0x2  }
0x22: {  	s28 =	sshra.s32 s28, $0x2  }
0x23: {  	[tilespmem:s28+$0x2800] =	vst v0  }
0x24: {  	[spmem:s6] =	stream.linear.scatter [tilespmem:s21], [sflag:$0x2], $0x4000, $0x38;
	[tilespmem:$0xB690] =	vst v63  }
0x25: {  	_ =	swait.ge [sflag:s22], $0x4000  }
0x26: {  	[sflag:s22] =	ssyncset.done $0x0  }
0x27: {  	[sflag:s22] =	ssyncadd.s32 $0xFFFFC000  }
0x28: {  	[spmem:s8] =	stream.linear.scatter [tilespmem:s21], [sflag:$0x2], $0x4000, $0x38;
	[tilespmem:$0xB690] =	vst v63  }
0x29: {  	_ =	swait.ge [sflag:s22], $0x4000  }
0x2a: {  	[sflag:s22] =	ssyncset.done $0x0  }
0x2b: {  	[sflag:s22] =	ssyncadd.s32 $0xFFFFC000  }
0x2c: {  	[spmem:s9] =	stream.linear.scatter [tilespmem:s21], [sflag:$0x2], $0x4000, $0x38;
	[tilespmem:$0xB690] =	vst v63  }
0x2d: {  	_ =	swait.ge [sflag:s22], $0x4000  }
0x2e: {  	[sflag:s22] =	ssyncset.done $0x0  }
0x2f: {  	[sflag:s22] =	ssyncadd.s32 $0xFFFFC000  }
0x30: {  	[spmem:s10] =	stream.linear.scatter [tilespmem:s21], [sflag:$0x2], $0x4000, $0x38;
	[tilespmem:$0xB690] =	vst v63  }
0x31: {  	_ =	swait.ge [sflag:s22], $0x4000  }
0x32: {  	[sflag:s22] =	ssyncset.done $0x0  }
0x33: {  	[sflag:s22] =	ssyncadd.s32 $0xFFFFC000  }
0x34: {  	[spmem:s11] =	stream.linear.scatter [tilespmem:s21], [sflag:$0x2], $0x3C00, $0x38;
	[tilespmem:$0xB690] =	vst v63  }
0x35: {  	_ =	swait.ge [sflag:s22], $0x3C00  }
0x36: {  	[sflag:s22] =	ssyncset.done $0x0  }
0x37: {  	[sflag:s22] =	ssyncadd.s32 $0xFFFFC400  }
0x38: {  	s26 =	simm.s32 $0x0;
	[bflag:$0x0] =	sbarrier.arrive $0xFFFF  }
0x39: {  	[tilespmem:s26], [sflag:$0x2] =	stream.linear.gather [hbm4b:s12+s26], $0x1400, $0x38;
	[tilespmem:$0xB690] =	vst v63  }
0x3a: {  	_ =	swait.ge [sflag:s22], $0x1400  }
0x3b: {  	[sflag:s22] =	ssyncset.done $0x0  }
0x3c: {  	[sflag:s22] =	ssyncadd.s32 $0xFFFFEC00  }
0x3d: {  	[tilespmem:s23], [sflag:$0x2] =	stream.linear.gather [hbm4b:s13+s26], $0x1400, $0x38;
	[tilespmem:$0xB690] =	vst v63  }
0x3e: {  	_ =	swait.ge [sflag:s22], $0x1400  }
0x3f: {  	[sflag:s22] =	ssyncset.done $0x0  }
0x40: {  	s30 =	simm.s32 $0x0;
	[sflag:s22] =	ssyncadd.s32 $0xFFFFEC00  }
0x41: {  	[tilespmem:s21], [sflag:$0x1] =	stream.indirect.gather [spmem:s1], $0x10, s30, s24, $0xb8;
	[tilespmem:$0xB690] =	vst v63  }
0x42: {  	_ =	swait.ge [sflag:s25], $0x800  }
0x43: {  	[sflag:s25] =	ssyncset.done $0x0  }
0x44: {  	s31 =	simm.s32 $0x1400;
	[sflag:s25] =	ssyncadd.s32 $0xFFFFF800  }
0x45: {  	[spmem:s2] =	stream.indirect.scatter.add.f32 [tilespmem:s21], [sflag:$0x2], $0x10, s31, s24, $0xb8;
	[tilespmem:$0xB690] =	vst v63  }
0x46: {  	_ =	swait.ge [sflag:s22], $0x800  }
0x47: {  	s28 =	simm.s32 $0x400;
	s26 =	simm.s32 $0x200;
	[sflag:s22] =	ssyncset.done $0x0  }
.LBB2_4:
0x48: {  	s29 =	sshra.s32 s26, $0x2  }
0x49: {  	[sflag:s22] =	ssyncadd.s32 $0xFFFFF800;
	s26 =	smov.u32 s28;
	s30 =	sadd.s32 $0x200, s28  }
0x4a: {  	[tilespmem:s21], [sflag:$0x1] =	stream.indirect.gather [spmem:s1], $0x10, s29, s24, $0xb8;
	[tilespmem:$0xB690] =	vst v63  }
0x4b: {  	p1 =	sne.s32 s28, $0x4E00;
	_ =	swait.ge [sflag:s25], $0x800  }
.Ltmp1:
0x4c: {  	[sflag:s25] =	ssyncset.done $0x0;
	(pc) =	sbr.rel @p1 .LBB2_4-.Ltmp1, $4  }
0x4d: {  	s28 =	sadd.s32 $0x1400, s29;
	[sflag:s25] =	ssyncadd.s32 $0xFFFFF800  }
0x4e: {  	[spmem:s2] =	stream.indirect.scatter.add.f32 [tilespmem:s21], [sflag:$0x2], $0x10, s28, s24, $0xb8;
	[tilespmem:$0xB690] =	vst v63  }
0x4f: {  	_ =	swait.ge [sflag:s22], $0x800  }
0x50: {  	s28 =	smov.u32 s30;
	[sflag:s22] =	ssyncset.done $0x0  }
0x51: {  	s26 =	sshra.s32 s26, $0x2;
	[sflag:s22] =	ssyncadd.s32 $0xFFFFF800  }
0x52: {  	[tilespmem:s21], [sflag:$0x1] =	stream.indirect.gather [spmem:s1], $0x10, s26, s24, $0xb8;
	[tilespmem:$0xB690] =	vst v63  }
0x53: {  	_ =	swait.ge [sflag:s25], $0x800  }
0x54: {  	[sflag:s25] =	ssyncset.done $0x0  }
0x55: {  	s26 =	sadd.s32 $0x1400, s26;
	[sflag:s25] =	ssyncadd.s32 $0xFFFFF800  }
0x56: {  	[spmem:s2] =	stream.indirect.scatter.add.f32 [tilespmem:s21], [sflag:$0x2], $0x10, s26, s24, $0xb8;
	[tilespmem:$0xB690] =	vst v63  }
0x57: {  	_ =	swait.ge [sflag:s22], $0x800  }
0x58: {  	[sflag:s22] =	ssyncset.done $0x0  }
0x59: {  	s29 =	simm.s32 $0x0;
	[sflag:s22] =	ssyncadd.s32 $0xFFFFF800  }
0x5a: {  	[tilespmem:s29], [sflag:$0x2] =	stream.linear.gather [hbm4b:s14+s29], $0x1400, $0x38;
	[tilespmem:$0xB690] =	vst v63  }
0x5b: {  	_ =	swait.ge [sflag:s22], $0x1400  }
0x5c: {  	[sflag:s22] =	ssyncset.done $0x0  }
0x5d: {  	[sflag:s22] =	ssyncadd.s32 $0xFFFFEC00  }
0x5e: {  	[tilespmem:s23], [sflag:$0x2] =	stream.linear.gather [hbm4b:s15+s29], $0x1400, $0x38;
	[tilespmem:$0xB690] =	vst v63  }
0x5f: {  	_ =	swait.ge [sflag:s22], $0x1400  }
0x60: {  	[sflag:s22] =	ssyncset.done $0x0  }
0x61: {  	s30 =	simm.s32 $0x0;
	[sflag:s22] =	ssyncadd.s32 $0xFFFFEC00  }
0x62: {  	[tilespmem:s21], [sflag:$0x1] =	stream.indirect.gather [spmem:s1], $0x10, s30, s24, $0xb8;
	[tilespmem:$0xB690] =	vst v63  }
0x63: {  	_ =	swait.ge [sflag:s25], $0x800  }
0x64: {  	[sflag:s25] =	ssyncset.done $0x0  }
0x65: {  	s31 =	simm.s32 $0x1400;
	[sflag:s25] =	ssyncadd.s32 $0xFFFFF800  }
0x66: {  	[spmem:s2] =	stream.indirect.scatter.add.f32 [tilespmem:s21], [sflag:$0x2], $0x10, s31, s24, $0xb8;
	[tilespmem:$0xB690] =	vst v63  }
0x67: {  	_ =	swait.ge [sflag:s22], $0x800  }
0x68: {  	s28 =	simm.s32 $0x400;
	s26 =	simm.s32 $0x200;
	[sflag:s22] =	ssyncset.done $0x0  }
.LBB2_6:
0x69: {  	s29 =	sshra.s32 s26, $0x2  }
0x6a: {  	[sflag:s22] =	ssyncadd.s32 $0xFFFFF800;
	s26 =	smov.u32 s28;
	s30 =	sadd.s32 $0x200, s28  }
0x6b: {  	[tilespmem:s21], [sflag:$0x1] =	stream.indirect.gather [spmem:s1], $0x10, s29, s24, $0xb8;
	[tilespmem:$0xB690] =	vst v63  }
0x6c: {  	p1 =	sne.s32 s28, $0x4E00;
	_ =	swait.ge [sflag:s25], $0x800  }
.Ltmp2:
0x6d: {  	[sflag:s25] =	ssyncset.done $0x0;
	(pc) =	sbr.rel @p1 .LBB2_6-.Ltmp2, $4  }
0x6e: {  	s28 =	sadd.s32 $0x1400, s29;
	[sflag:s25] =	ssyncadd.s32 $0xFFFFF800  }
0x6f: {  	[spmem:s2] =	stream.indirect.scatter.add.f32 [tilespmem:s21], [sflag:$0x2], $0x10, s28, s24, $0xb8;
	[tilespmem:$0xB690] =	vst v63  }
0x70: {  	_ =	swait.ge [sflag:s22], $0x800  }
0x71: {  	s28 =	smov.u32 s30;
	[sflag:s22] =	ssyncset.done $0x0  }
0x72: {  	s26 =	sshra.s32 s26, $0x2;
	[sflag:s22] =	ssyncadd.s32 $0xFFFFF800  }
0x73: {  	[tilespmem:s21], [sflag:$0x1] =	stream.indirect.gather [spmem:s1], $0x10, s26, s24, $0xb8;
	[tilespmem:$0xB690] =	vst v63  }
0x74: {  	_ =	swait.ge [sflag:s25], $0x800  }
0x75: {  	[sflag:s25] =	ssyncset.done $0x0  }
0x76: {  	s26 =	sadd.s32 $0x1400, s26;
	[sflag:s25] =	ssyncadd.s32 $0xFFFFF800  }
0x77: {  	[spmem:s2] =	stream.indirect.scatter.add.f32 [tilespmem:s21], [sflag:$0x2], $0x10, s26, s24, $0xb8;
	[tilespmem:$0xB690] =	vst v63  }
0x78: {  	_ =	swait.ge [sflag:s22], $0x800  }
0x79: {  	s31 =	sshll.u32 s3, $0x6;
	s4 =	sadd.s32 $0x1, s4;
	[sflag:s22] =	ssyncset.done $0x0  }
0x7a: {  	s28 =	sshrl.u32 s6, $0x3;
	p1 =	sne.s32 s4, s17;
	[sflag:s22] =	ssyncadd.s32 $0xFFFFF800  }
.Ltmp3:
0x7b: {  	s26 =	sor.u32 $0x1C02, s31;
	[bflag:$0x0] =	sbarrier.arrive $0xFFFF;
	(pc) =	sbr.rel @p1 .LBB2_1-.Ltmp3, $4  }
0x7c: {  	[hbm:s16], [sflag:s26] =	dma.local [spmem:s28], $0x2780  }
0x7d: {  	_ =	swait.ge [sflag:s22], $0x2780  }
0x7e: {  	[sflag:s22] =	ssyncset.done $0x0  }
0x7f: {  	[sflag:s22] =	ssyncadd.s32 $0xFFFFD880  }
0x80: {  	_ =	sfence.sel $0x180000  }
0x81: {  	[bflag:$0x0] =	sbarrier.arrive $0xFFFF  }
0x82: {  	p0 =	sne.s32 s3, $0x0;
	_ =	strace $0x9000004D  }
0x83: {  	s0 =	sadd.s32 @!p0 $0x100000, s0;
	[bflag:$0x2] =	sbarrier.arrive $0xFFFF  }
0x84: {  	[sflag:s0] =	ssyncadd.tile.s32 @!p0 $0x1;
	_ =	shalt  }
.Lfunc_end2:
_tile_overlayer_lowered:
.L_overlay_start_2:
0x85: {  	(tag) =	ssettag $0x2  }
0x86: {  	s0 =	rddreg [dreg:$0x0];
	s2 =	stileid.u32  }
0x87: {  	s1 =	rddreg [dreg:$0x1];
	p0 =	sne.s32 s2, $0x0  }
0x88: {  	s3 =	rddreg [dreg:$0x2];
	[bflag:$0x3] =	sbarrier.arrive $0xFFFF;
	s2 =	simm.s32 @!p0 $0x1C02  }
0x89: {  	[timem:s3], [sflag:s2] =	dma.local @!p0 [hbm:s0], s1  }
0x8a: {  	s0 =	simm.s32 @!p0 $0x2  }
0x8b: {  	_ =	swait.ge @!p0 [sflag:s0], s1  }
0x8c: {  	s1 =	ssub.s32 @!p0 $0x0, s1;
	[sflag:s0] =	ssyncset.done @!p0 $0x0  }
0x8d: {  	[sflag:s0] =	ssyncadd.s32 @!p0 s1  }
0x8e: {  	[bflag:$0x3] =	sbarrier.arrive $0xFFFF  }
0x8f: {  	_ =	shalt  }

// kernel: kernel.8.cloned.1.call-start
scs
__scs_entry_jumppad:
0x0: {  	(pc) =	sbr.rel $0x88, $3  }
0x1: {  	(tag) =	ssettag $0x0;
	lr =	simm.s32 $0x1  }
0x2: {  	[smem:$0x3F99] =	sst lr;
	_ =	strace $0xD0000000  }
0x3: {  	_ = 	snop  }
0x4: {  	_ = 	snop  }
0x5: {  	_ = 	snop  }
0x6: {  	_ = 	snop  }
0x7: {  	_ = 	snop  }
__scs_overlays_trampoline_lowered:
0x8: {  	[smem:$0x3FA8] =	sst s0  }
0x9: {  	[smem:$0x3FA9] =	sst s1  }
0xa: {  	[smem:$0x3FAA] =	sst s2  }
0xb: {  	[smem:$0x3FAB] =	sst s3  }
0xc: {  	[smem:$0x3FAC] =	sst s4  }
0xd: {  	[smem:$0x3FAD] =	sst s5  }
0xe: {  	[smem:$0x3FAE] =	sst s6  }
0xf: {  	[smem:$0x3FAF] =	sst s7  }
0x10: {  	[smem:$0x3FB0] =	sst s8  }
0x11: {  	[smem:$0x3FB1] =	sst s9;
	s0 =	simm.s32 @!p0 $0x0  }
0x12: {  	s1 =	sld [smem:$0x3F97];
	s0 =	simm.s32 @p0 $0x1  }
0x13: {  	[smem:$0x3FB2] =	sst s0;
	s0 =	simm.s32 @!p1 $0x0  }
0x14: {  	s2 =	sld [smem:$0x3F96];
	s0 =	simm.s32 @p1 $0x1  }
0x15: {  	[smem:$0x3FB3] =	sst s0;
	s0 =	simm.s32 @!p2 $0x0  }
0x16: {  	s3 =	sld [smem:$0x3FDB];
	s0 =	simm.s32 @p2 $0x1  }
0x17: {  	s4 =	simm.s32 $0x1BF5;
	[smem:$0x3FB5] =	sst s0  }
0x18: {  	s0 =	sld [smem:$0x3F98];
	_ =	swait.ge [sflag:s4], $0x0  }
0x19: {  	s7 =	sld [smem:$0x3F99]  }
0x1a: {  	s8 =	sadd.s32 $0xFFFFE003, lr  }
0x1b: {  	s9 =	sadd.s32 $0xFFFFFEF7, lr;
	s5 =	simm.s32 $0xFFFFFFFF;
	p2 =	slt.u32 s8, $0xFFFFF086  }
0x1c: {  	p1 =	slt.u32 s9, $0xF7A;
	s5 =	simm.s32 @!p2 $0x0  }
0x1d: {  	s5 =	simm.s32 @p1 $0x1;
	p0 =	seq.s32 s7, s2  }
0x1e: {  	s7 =	smul.u32 @!p0 $0xF7A, s2;
	p2 =	seq.s32 @!p0 s5, $0x0  }
0x1f: {  	s9 =	smul.u32 $0xF7A, s1;
	s8 =	simm.s32 @!p0 $0x1BF5;
	p2 =	por !p2, p0  }
0x20: {  	[sflag:s8] =	ssyncset.s32 @!p0 $0xFFFFF086;
	s6 =	sadd.s32 @!p0 s3, s7;
	s7 =	simm.s32 @!p0 $0x108  }
0x21: {  	s3 =	sadd.s32 s3, s9;
	s6 =	sadd.s32 @!p0 $0x88, s6;
	s7 =	simm.s32 @p2 $0x1082  }
0x22: {  	[simem:s7], [sflag:s8] =	dma.local @!p0 [hbm:s6], $0xF7A  }
0x23: {  	s9 =	sor.u32 $0xD0000000, s2;
	s6 =	simm.s32 $0x108;
	_ =	swait.ge @!p0 [sflag:s8], $0x0  }
0x24: {  	s3 =	sadd.s32 $0x88, s3;
	s6 =	simm.s32 @!p1 $0x1082;
	[sflag:s4] =	ssyncset.s32 $0xFFFFF086  }
0x25: {  	[simem:s6], [sflag:s4] =	dma.local [hbm:s3], $0xF7A  }
0x26: {  	[smem:$0x3F99] =	sst s1;
	(tag) =	ssettag s2;
	_ =	strace s9  }
0x27: {  	s1 =	sld [smem:$0x3FA9]  }
0x28: {  	s2 =	sld [smem:$0x3FAA]  }
0x29: {  	s4 =	sld [smem:$0x3FAC]  }
0x2a: {  	p0 =	seq.s32 s5, $0x0;
	s5 =	sld [smem:$0x3FAD]  }
0x2b: {  	s6 =	sld [smem:$0x3FAE]  }
0x2c: {  	s7 =	sld [smem:$0x3FAF]  }
0x2d: {  	s3 =	simm.s32 $0x108;
	s8 =	sld [smem:$0x3FB0]  }
0x2e: {  	s3 =	simm.s32 @!p0 $0x1082;
	s9 =	sld [smem:$0x3FB1]  }
0x2f: {  	lr =	sadd.s32 s0, s3;
	s0 =	sld [smem:$0x3FA8]  }
0x30: {  	s3 =	sld [smem:$0x3FAB]  }
0x31: {  	[smem:$0x3FB4] =	sst s10  }
0x32: {  	s10 =	sld [smem:$0x3FB2];
	_ =	sdelay $0x3  }
0x33: {  	p0 =	seq.s32 s10, $0x1;
	s10 =	sld [smem:$0x3FB4];
	_ =	sdelay $0x3  }
0x34: {  	[smem:$0x3FB4] =	sst s10  }
0x35: {  	s10 =	sld [smem:$0x3FB3];
	_ =	sdelay $0x3  }
0x36: {  	p1 =	seq.s32 s10, $0x1;
	s10 =	sld [smem:$0x3FB4];
	_ =	sdelay $0x3  }
0x37: {  	[smem:$0x3FB4] =	sst s10  }
0x38: {  	s10 =	sld [smem:$0x3FB5]  }
0x39: {  	_ = 	snop;
	(pc) =	sbr.ind lr, $3  }
0x3a: {  	_ = 	snop  }
0x3b: {  	_ = 	snop  }
0x3c: {  	p2 =	seq.s32 s10, $0x1;
	s10 =	sld [smem:$0x3FB4]  }
0x3d: {  	_ =	shalt  }
0x3e: {  	_ =	shalt  }
0x3f: {  	_ =	shalt  }
0x40: {  	_ =	shalt  }
0x41: {  	_ =	shalt  }
0x42: {  	_ =	shalt  }
0x43: {  	_ =	shalt  }
0x44: {  	_ =	shalt  }
0x45: {  	_ =	shalt  }
0x46: {  	_ =	shalt  }
0x47: {  	_ =	shalt  }
0x48: {  	_ =	shalt  }
0x49: {  	_ =	shalt  }
0x4a: {  	_ =	shalt  }
0x4b: {  	_ =	shalt  }
0x4c: {  	_ =	shalt  }
0x4d: {  	_ =	shalt  }
0x4e: {  	_ =	shalt  }
0x4f: {  	_ =	shalt  }
0x50: {  	_ =	shalt  }
0x51: {  	_ =	shalt  }
0x52: {  	_ =	shalt  }
0x53: {  	_ =	shalt  }
0x54: {  	_ =	shalt  }
0x55: {  	_ =	shalt  }
0x56: {  	_ =	shalt  }
0x57: {  	_ =	shalt  }
0x58: {  	_ =	shalt  }
0x59: {  	_ =	shalt  }
0x5a: {  	_ =	shalt  }
0x5b: {  	_ =	shalt  }
0x5c: {  	_ =	shalt  }
0x5d: {  	_ =	shalt  }
0x5e: {  	_ =	shalt  }
0x5f: {  	_ =	shalt  }
0x60: {  	_ =	shalt  }
0x61: {  	_ =	shalt  }
0x62: {  	_ =	shalt  }
0x63: {  	_ =	shalt  }
0x64: {  	_ =	shalt  }
0x65: {  	_ =	shalt  }
0x66: {  	_ =	shalt  }
0x67: {  	_ =	shalt  }
0x68: {  	_ =	shalt  }
0x69: {  	_ =	shalt  }
0x6a: {  	_ =	shalt  }
0x6b: {  	_ =	shalt  }
0x6c: {  	_ =	shalt  }
0x6d: {  	_ =	shalt  }
0x6e: {  	_ =	shalt  }
0x6f: {  	_ =	shalt  }
0x70: {  	_ =	shalt  }
0x71: {  	_ =	shalt  }
0x72: {  	_ =	shalt  }
0x73: {  	_ =	shalt  }
0x74: {  	_ =	shalt  }
0x75: {  	_ =	shalt  }
0x76: {  	_ =	shalt  }
0x77: {  	_ =	shalt  }
0x78: {  	_ =	shalt  }
0x79: {  	_ =	shalt  }
0x7a: {  	_ =	shalt  }
0x7b: {  	_ =	shalt  }
0x7c: {  	_ =	shalt  }
0x7d: {  	_ =	shalt  }
0x7e: {  	_ =	shalt  }
0x7f: {  	_ =	shalt  }
0x80: {  	_ =	shalt  }
0x81: {  	_ =	shalt  }
0x82: {  	_ =	shalt  }
0x83: {  	_ =	shalt  }
0x84: {  	_ =	shalt  }
0x85: {  	_ =	shalt  }
0x86: {  	_ =	shalt  }
0x87: {  	_ =	shalt  }
.Lfunc_end0:
.L_simem_size_0:
called_computation_lowered:
.L_overlay_start_0:
0x88: {  	s2 =	sld [smem:$0x3FD9]  }
0x89: {  	s3 =	sld [smem:$0x3FFE];
	_ =	sdelay $0x1  }
0x8a: {  	s1 =	srdreg.scid  }
0x8b: {  	s0 =	sand.u32 $0x1, s1  }
0x8c: {  	s16 =	sshll.u32 s0, $0xA;
	s2 =	sadd.s32 s3, s2  }
0x8d: {  	s2 =	sadd.s32 s2, s16  }
0x8e: {  	[smem:$0x3FC0] =	sst s2  }
0x8f: {  	_ = 	snop  }
0x90: {  	(tm) =	ssettm $0x1  }
0x91: {  	s17 =	sld [smem:$0x3FFB];
	_ =	sdelay $0x3  }
0x92: {  	_ =	strace s17  }
0x93: {  	s2 =	sld [smem:$0x3FFC];
	_ =	sdelay $0x3  }
0x94: {  	_ =	strace s2  }
0x95: {  	s2 =	sld [smem:$0x3FFD];
	_ =	sdelay $0x3  }
0x96: {  	_ =	strace s2  }
0x97: {  	_ =	strace $0x8FFFFFFF  }
0x98: {  	s18 =	sld [smem:$0x3FDB];
	_ =	sdelay $0x1  }
0x99: {  	s19 =	simm.s32 $_scs_section_size  }
0x9a: {  	s4 =	simm.s32 $_size__tile_overlayer_lowered;
	s5 =	simm.s32 $_tile_overlayer_lowered  }
0x9b: {  	s22 =	simm.s32 $0x1BFF;
	s21 =	sshll.u32 s5, $0x1;
	s2 =	sadd.s32 s19, s18  }
0x9c: {  	s6 =	simm.s32 $0x0;
	s20 =	sshll.u32 s4, $0x1;
	s4 =	sadd.s32 s21, s2  }
0x9d: {  	[timem:s6], [sflag:s22] =	dma.local [hbm:s4], s20  }
0x9e: {  	_ =	swait.ge [sflag:s22], s20  }
0x9f: {  	s3 =	ssub.s32 $0x0, s20;
	[sflag:s22] =	ssyncset.done $0x0  }
0xa0: {  	[sflag:s22] =	ssyncadd.s32 s3;
	_ =	sdelay $0x1  }
0xa1: {  	s23 =	simm.s32 $0x1B8B  }
0xa2: {  	_ =	swait.ge [sflag:s23], $0x1  }
0xa3: {  	[sflag:s23] =	ssyncset.done $0x0  }
0xa4: {  	s25 =	simm.s32 $0x1B8E;
	s24 =	sld [smem:$0x3FFE];
	[sflag:s23] =	ssyncadd.s32 $0xFFFFFFFF  }
0xa5: {  	s26 =	simm.s32 $execute0_lowered;
	[smem:$0x3FD2] =	sst s25  }
0xa6: {  	s4 =	sshll.u32 s26, $0x1;
	_ =	strace $0x80000046;
	[dreg:$0x1] =	wrdreg $0xFFFFFFFF  }
0xa7: {  	s28 =	simm.s32 $_size_execute0_lowered;
	s2 =	sadd.s32 s2, s4;
	[dreg:$0x0] =	wrdreg $0x0  }
0xa8: {  	s4 =	sshll.u32 s28, $0x1;
	[dreg:$0x2] =	wrdreg s2  }
0xa9: {  	[dreg:$0x3] =	wrdreg s4  }
0xaa: {  	[dreg:$0x4] =	wrdreg $0xC0  }
0xab: {  	_ =	task [dreg:s6], $0x5FFFF  }
0xac: {  	[dreg:$0x1] =	wrdreg $0xFFFFFFFF  }
0xad: {  	[dreg:$0x0] =	wrdreg $0x60  }
0xae: {  	[dreg:$0x2] =	wrdreg s24  }
0xaf: {  	[dreg:$0x3] =	wrdreg $0x68000  }
0xb0: {  	[dreg:$0x4] =	wrdreg $0x9  }
0xb1: {  	_ =	task.clear_ibuf [dreg:s6], $0x5FFFF;
	_ =	strace $0x90000046  }
0xb2: {  	s29 =	simm.s32 $0x9;
	_ =	strace $0x80000048  }
0xb3: {  	_ =	swait.ge [sflag:s29], $0x1  }
0xb4: {  	[sflag:s29] =	ssyncadd.s32 $0xFFFFFFFF  }
0xb5: {  	_ =	strace $0x90000048  }
0xb6: {  	_ =	sfence  }
0xb7: {  	s30 =	sld [smem:$0x0];
	_ =	sdelay $0x2  }
0xb8: {  	s31 =	sshll.u32 s1, $0xD;
	s1 =	sshrl.u32 s1, $0x2  }
0xb9: {  	s3 =	sand.u32 $0x4000, s31;
	s1 =	sadd.s32 s1, s30  }
0xba: {  	s0 =	sor.u32 s3, s0;
	s1 =	sshll.u32 s1, $0x11  }
0xbb: {  	s0 =	sor.u32 s1, s0  }
0xbc: {  	s0 =	sadd.s32 $0x8F2B, s0  }
0xbd: {  	[sflag:s0] =	ssyncadd.remote.s32 $0x1  }
0xbe: {  	_ =	sfence.sel $0xFFFF  }
0xbf: {  	[dreg:$0x0] =	wrdreg $0xFFFFFFFF;
	(pc) =	sbr.abs _section_cstart, $3  }
0xc0: {  	[dreg:$0x1] =	wrdreg $0xFFFFFFFF  }
0xc1: {  	_ =	task.clear_ibuf [dreg:s6], $0x2FFFF;
	_ =	strace $0x9FFFFFFF  }
0xc2: {  	(tm) =	ssettm $0x7FFFFFFF  }
0xc3: {  	_ =	shalt  }
tec
execute0_lowered:
.L_overlay_start_1:
0x0: {  	(tag) =	ssettag $0x1  }
0x1: {  	s0 =	srdreg.scid;
	s5 =	rddreg [dreg:$0x0]  }
0x2: {  	s2 =	rddreg [dreg:$0x1];
	s3 =	simm.s32 $0x0;
	s12 =	simm.s32 $0x1  }
0x3: {  	s13 =	simm.s32 $0x2800;
	s14 =	simm.s32 $0x80;
	s4 =	sand.u32 $0x1, s0  }
0x4: {  	s17 =	simm.s32 $0x0;
	s0 =	stileid.u32;
	s7 =	smul.u32 $0x13C000, s4  }
0x5: {  	[smem:$0x7FF] =	sst s3;
	s1 =	sshll.u32 s4, $0x4;
	s8 =	smul.u32 $0x13C00, s0  }
0x6: {  	s9 =	smul.u32 $0x4F000, s0;
	s29 =	ssub.s32 $0x2, s4;
	s15 =	sshll.u32 s0, $0x6  }
0x7: {  	s1 =	sor.u32 s0, s1;
	s31 =	sshrl.u32 s29, $0x1;
	s15 =	sor.u32 $0x1C01, s15  }
0x8: {  	s6 =	smul.u32 $0x500, s1;
	s1 =	rddreg [dreg:$0x2];
	_ =	strace $0x80000047  }
0x9: {  	s7 =	sadd.s32 s8, s7;
	s30 =	sshrl.u32 s9, $0x2;
	s11 =	ssub.s32 s29, s31  }
0xa: {  	s7 =	sshrl.u32 s7, $0x3;
	s4 =	sadd.s32 s30, s2;
	s11 =	smax.u32 s11, $0x1  }
0xb: {  	s6 =	sadd.s32 s6, s5;
	s10 =	sadd.s32 s7, s5;
	s7 =	sadd.s32 $0x8000, s4  }
0xc: {  	s8 =	sadd.s32 $0xC000, s4;
	s9 =	sadd.s32 $0x10000, s4;
	s16 =	sshrl.u32 s4, $0x3  }
0xd: {  	v0 =	vimm.f32 $0.0e+00;
	v1 =	vimm.f32 $1.000000000e+00;
	s5 =	sadd.s32 $0xCA00, s6;
	s6 =	sadd.s32 $0x4000, s4;
	s10 =	sadd.s32 $0x16A00, s10  }
.LBB2_1:
0xe: {  	[tilespmem:s3], [sflag:$0x1] =	stream.linear.gather [hbm4b:s5+s3], $0x2800, $0x38;
	[tilespmem:$0x8F80] =	vst v63  }
0xf: {  	_ =	swait.ge [sflag:s12], $0x2800  }
0x10: {  	[sflag:s12] =	ssyncset.done $0x0  }
0x11: {  	s18 =	simm.s32 $0x200;
	s19 =	simm.s32 $0x0;
	[sflag:s12] =	ssyncadd.s32 $0xFFFFD800  }
.LBB2_2:
0x12: {  	p0 =	sne.s32 s18, $0xFE00;
	[tilespmem:s19+$0x2800] =	vst v0;
	s19 =	smov.u32 s18;
	s18 =	sadd.s32 $0x200, s18  }
.Ltmp0:
0x13: {  	(pc) =	sbr.rel @p0 .LBB2_2-.Ltmp0, $2  }
0x14: {  	_ =	sdelay $0x2  }
0x15: {  	s19 =	sshra.s32 s19, $0x2  }
0x16: {  	[tilespmem:s19+$0x2800] =	vst v0  }
0x17: {  	[spmem:s4] =	stream.linear.scatter [tilespmem:s13], [sflag:$0x1], $0x4000, $0x38;
	[tilespmem:$0x8F80] =	vst v63  }
0x18: {  	_ =	swait.ge [sflag:s12], $0x4000  }
0x19: {  	[sflag:s12] =	ssyncset.done $0x0  }
0x1a: {  	[sflag:s12] =	ssyncadd.s32 $0xFFFFC000  }
0x1b: {  	[spmem:s6] =	stream.linear.scatter [tilespmem:s13], [sflag:$0x1], $0x4000, $0x38;
	[tilespmem:$0x8F80] =	vst v63  }
0x1c: {  	_ =	swait.ge [sflag:s12], $0x4000  }
0x1d: {  	[sflag:s12] =	ssyncset.done $0x0  }
0x1e: {  	[sflag:s12] =	ssyncadd.s32 $0xFFFFC000  }
0x1f: {  	[spmem:s7] =	stream.linear.scatter [tilespmem:s13], [sflag:$0x1], $0x4000, $0x38;
	[tilespmem:$0x8F80] =	vst v63  }
0x20: {  	_ =	swait.ge [sflag:s12], $0x4000  }
0x21: {  	[sflag:s12] =	ssyncset.done $0x0  }
0x22: {  	[sflag:s12] =	ssyncadd.s32 $0xFFFFC000  }
0x23: {  	[spmem:s8] =	stream.linear.scatter [tilespmem:s13], [sflag:$0x1], $0x4000, $0x38;
	[tilespmem:$0x8F80] =	vst v63  }
0x24: {  	_ =	swait.ge [sflag:s12], $0x4000  }
0x25: {  	[sflag:s12] =	ssyncset.done $0x0  }
0x26: {  	[sflag:s12] =	ssyncadd.s32 $0xFFFFC000  }
0x27: {  	[spmem:s9] =	stream.linear.scatter [tilespmem:s13], [sflag:$0x1], $0x3C00, $0x38;
	[tilespmem:$0x8F80] =	vst v63  }
0x28: {  	_ =	swait.ge [sflag:s12], $0x3C00  }
0x29: {  	[sflag:s12] =	ssyncset.done $0x0  }
0x2a: {  	s18 =	simm.s32 $0x200;
	s19 =	simm.s32 $0x0;
	[sflag:s12] =	ssyncadd.s32 $0xFFFFC400  }
.LBB2_4:
0x2b: {  	p0 =	sne.s32 s18, $0xFE00;
	[tilespmem:s19+$0x2800] =	vst v1;
	s19 =	smov.u32 s18;
	s18 =	sadd.s32 $0x200, s18  }
.Ltmp1:
0x2c: {  	(pc) =	sbr.rel @p0 .LBB2_4-.Ltmp1, $2  }
0x2d: {  	_ =	sdelay $0x2  }
0x2e: {  	s19 =	sshra.s32 s19, $0x2  }
0x2f: {  	[tilespmem:s19+$0x2800] =	vst v1  }
0x30: {  	s18 =	simm.s32 $0x0;
	[bflag:$0x0] =	sbarrier.arrive $0xFFFF  }
0x31: {  	[spmem:s2] =	stream.indirect.scatter.add.f32 [tilespmem:s13], [sflag:$0x1], $0x10, s18, s14, $0xb8;
	[tilespmem:$0x8F80] =	vst v63  }
0x32: {  	_ =	swait.ge [sflag:s12], $0x800  }
0x33: {  	s18 =	simm.s32 $0x200;
	[sflag:s12] =	ssyncset.done $0x0  }
.LBB2_6:
0x34: {  	s19 =	sshra.s32 s18, $0x2;
	[sflag:s12] =	ssyncadd.s32 $0xFFFFF800;
	p0 =	sne.s32 s18, $0x9E00  }
0x35: {  	[spmem:s2] =	stream.indirect.scatter.add.f32 [tilespmem:s13], [sflag:$0x1], $0x10, s19, s14, $0xb8;
	[tilespmem:$0x8F80] =	vst v63  }
.Ltmp2:
0x36: {  	_ = 	snop;
	(pc) =	sbr.rel @p0 .LBB2_6-.Ltmp2, $4  }
0x37: {  	_ = 	snop  }
0x38: {  	s18 =	sadd.s32 $0x200, s18  }
0x39: {  	_ =	swait.ge [sflag:s12], $0x800  }
0x3a: {  	[sflag:s12] =	ssyncset.done $0x0  }
0x3b: {  	s17 =	sadd.s32 $0x1, s17  }
0x3c: {  	[sflag:s12] =	ssyncadd.s32 $0xFFFFF800;
	p0 =	sne.s32 s17, s11  }
.Ltmp3:
0x3d: {  	[bflag:$0x0] =	sbarrier.arrive $0xFFFF;
	(pc) =	sbr.rel @p0 .LBB2_1-.Ltmp3, $4  }
0x3e: {  	[hbm:s10], [sflag:s15] =	dma.local [spmem:s16], $0x2780  }
0x3f: {  	_ =	swait.ge [sflag:s12], $0x2780  }
0x40: {  	[sflag:s12] =	ssyncset.done $0x0  }
0x41: {  	[sflag:s12] =	ssyncadd.s32 $0xFFFFD880  }
0x42: {  	_ =	sfence.sel $0x180000  }
0x43: {  	[bflag:$0x0] =	sbarrier.arrive $0xFFFF  }
0x44: {  	p0 =	sne.s32 s0, $0x0;
	_ =	strace $0x90000047  }
0x45: {  	s0 =	sadd.s32 @!p0 $0x100000, s1;
	[bflag:$0x2] =	sbarrier.arrive $0xFFFF  }
0x46: {  	[sflag:s0] =	ssyncadd.tile.s32 @!p0 $0x1;
	_ =	shalt  }
.Lfunc_end2:
_tile_overlayer_lowered:
.L_overlay_start_2:
0x47: {  	(tag) =	ssettag $0x2  }
0x48: {  	s0 =	rddreg [dreg:$0x0];
	s2 =	stileid.u32  }
0x49: {  	s1 =	rddreg [dreg:$0x1];
	p0 =	sne.s32 s2, $0x0  }
0x4a: {  	s3 =	rddreg [dreg:$0x2];
	[bflag:$0x3] =	sbarrier.arrive $0xFFFF;
	s2 =	simm.s32 @!p0 $0x1C01  }
0x4b: {  	[timem:s3], [sflag:s2] =	dma.local @!p0 [hbm:s0], s1  }
0x4c: {  	s0 =	simm.s32 @!p0 $0x1  }
0x4d: {  	_ =	swait.ge @!p0 [sflag:s0], s1  }
0x4e: {  	s1 =	ssub.s32 @!p0 $0x0, s1;
	[sflag:s0] =	ssyncset.done @!p0 $0x0  }
0x4f: {  	[sflag:s0] =	ssyncadd.s32 @!p0 s1  }
0x50: {  	[bflag:$0x3] =	sbarrier.arrive $0xFFFF  }
0x51: {  	_ =	shalt  }

</sc_bundles>
